<compile_context>
chip_gen: v7x
topology: tpu7x:2x2x1
jax: 0.10.2.dev20260603
libtpu: 0.0.44.dev20260713+nightly
codegen_flags: <defaults>
</compile_context>

<pallas_src>
import functools

import jax
import jax.numpy as jnp
from jax import lax
from jax.experimental import pallas as pl
from jax.experimental.pallas import tpu as pltpu
from jax.experimental.pallas import tpu_sc as plsc

EMB = 64
SCALE = 8.0
LANES = 16

NW = 32
IDX_MINOR = 128
KROW = 4
CHUNK = KROW * IDX_MINOR
NBUF = 2


def _fire_gathers(table_hbm, idx_v, rows_v, gsem):
    for j in range(KROW):
        pltpu.async_copy(
            table_hbm.at[idx_v.at[j]],
            rows_v.at[pl.ds(j * IDX_MINOR, IDX_MINOR)],
            gsem,
        )


def _drain_gathers(table_hbm, idx_v, rows_v, gsem):
    for j in range(KROW):
        pltpu.make_async_copy(
            table_hbm.at[idx_v.at[j]],
            rows_v.at[pl.ds(j * IDX_MINOR, IDX_MINOR)],
            gsem,
        ).wait()


def _emb_body(tok_hbm, table_hbm, out_hbm,
              idx0, idx1, rows0, rows1, isem0, isem1, gsem0, gsem1,
              ssem0, ssem1):
    idx = (idx0, idx1)
    rows = (rows0, rows1)
    isem = (isem0, isem1)
    gsem = (gsem0, gsem1)
    ssem = (ssem0, ssem1)

    n_chunks = tok_hbm.shape[0] // (NW * KROW)
    wid = lax.axis_index("s") * 2 + lax.axis_index("c")
    tok_row_base = wid * (n_chunks * KROW)
    out_base = tok_row_base * IDX_MINOR

    def idx_copy(ci, b):
        return pltpu.make_async_copy(
            tok_hbm.at[pl.ds(tok_row_base + ci * KROW, KROW)], idx[b], isem[b])

    def out_copy(ci, b):
        return pltpu.make_async_copy(
            rows[b], out_hbm.at[pl.ds(out_base + ci * CHUNK, CHUNK)], ssem[b])

    c0 = idx_copy(0, 0)
    c0.start()
    c0.wait()
    idx_copy(1, 1).start()
    _fire_gathers(table_hbm, idx[0], rows[0], gsem[0])

    def outer(oi, carry):
        for b in range(NBUF):
            ci = oi * NBUF + b
            nb = b ^ 1
            _drain_gathers(table_hbm, idx[b], rows[b], gsem[b])

            @pl.when(ci > 0)
            def _():
                out_copy(0, nb).wait()

            @pl.when(ci + 1 < n_chunks)
            def _():
                idx_copy(0, nb).wait()
                _fire_gathers(table_hbm, idx[nb], rows[nb], gsem[nb])

            @pl.when(ci + 2 < n_chunks)
            def _():
                idx_copy(ci + 2, b).start()

            def mul_body(r, carry2):
                for t in range(EMB // LANES):
                    sl = (r, pl.ds(t * LANES, LANES))
                    rows[b][sl] = rows[b][sl] * SCALE
                return carry2

            lax.fori_loop(0, CHUNK, mul_body, 0, unroll=2)

            out_copy(ci, b).start()
        return carry

    lax.fori_loop(0, n_chunks // NBUF, outer, 0)
    out_copy(0, (n_chunks - 1) % NBUF).wait()


def kernel(tokens, table):
    batch, hist = tokens.shape
    n_rows = batch * hist
    tok2d = jnp.reshape(tokens.astype(jnp.int32), (n_rows // IDX_MINOR, IDX_MINOR))

    mesh = plsc.VectorSubcoreMesh(core_axis_name="c", subcore_axis_name="s")
    run = functools.partial(
        pl.kernel,
        mesh=mesh,
        compiler_params=pltpu.CompilerParams(use_tc_tiling_on_sc=False),
        out_type=jax.ShapeDtypeStruct((n_rows, EMB), jnp.float32),
        scratch_types=[
            pltpu.VMEM((KROW, IDX_MINOR), jnp.int32),
            pltpu.VMEM((KROW, IDX_MINOR), jnp.int32),
            pltpu.VMEM((CHUNK, EMB), jnp.float32),
            pltpu.VMEM((CHUNK, EMB), jnp.float32),
            pltpu.SemaphoreType.DMA,
            pltpu.SemaphoreType.DMA,
            pltpu.SemaphoreType.DMA,
            pltpu.SemaphoreType.DMA,
            pltpu.SemaphoreType.DMA,
            pltpu.SemaphoreType.DMA,
        ],
    )(_emb_body)
    out = run(tok2d, table)
    return jnp.reshape(out, (batch, hist, EMB))

# --- scband reference (transcript-rebuilt; emitter-appended) ---
"""Pipeline reference for scband-token-embedding-23845658427420 (READ-ONLY COPY).

The authoritative reference and input builder live on the scoring server;
editing this copy changes nothing except your own understanding.
"""

import jax, jax.numpy as jnp
import numpy as np
import math

VOCAB = 1000000
EMB = 64
BATCH = 16384
HIST = 200

def setup_inputs(seed: int = 0) -> dict:
    key = jax.random.key(seed)
    k1, k2 = jax.random.split(key)
    tokens = jax.random.randint(k1, (BATCH, HIST), 0, VOCAB, dtype=jnp.int64 if jax.config.jax_enable_x64 else jnp.int32)
    table = jax.random.normal(k2, (VOCAB, EMB), dtype=jnp.float32)
    return {"tokens": tokens, "table": table}

def reference(tokens, table):
    emb = jnp.take(table, tokens, axis=0)
    return emb * math.sqrt(EMB)

if __name__ == "__main__":
    import jax
    _d = setup_inputs()
    print(jax.jit(kernel)(*tuple(_d.values())))

</pallas_src>

<mosaic_0001>
#map = affine_map<(d0, d1) -> (0, 0)>
module attributes {stable_mosaic.version = 14 : i64} {
  func.func @_emb_body(%arg0: i32, %arg1: i32, %arg2: memref<25600x128xi32, #tpu.memory_space<hbm>>, %arg3: memref<1000000x64xf32, #tpu.memory_space<hbm>>, %arg4: memref<3276800x64xf32, #tpu.memory_space<hbm>>, %arg5: memref<4x128xi32, #tpu.memory_space<vmem>>, %arg6: memref<4x128xi32, #tpu.memory_space<vmem>>, %arg7: memref<512x64xf32, #tpu.memory_space<vmem>>, %arg8: memref<512x64xf32, #tpu.memory_space<vmem>>, %arg9: memref<!tpu.dma_semaphore, #tpu.memory_space<semaphore_mem>>, %arg10: memref<!tpu.dma_semaphore, #tpu.memory_space<semaphore_mem>>, %arg11: memref<!tpu.dma_semaphore, #tpu.memory_space<semaphore_mem>>, %arg12: memref<!tpu.dma_semaphore, #tpu.memory_space<semaphore_mem>>, %arg13: memref<!tpu.dma_semaphore, #tpu.memory_space<semaphore_mem>>, %arg14: memref<!tpu.dma_semaphore, #tpu.memory_space<semaphore_mem>>) attributes {dimension_semantics = [#tpu.dimension_semantics<core_parallel>, #tpu.dimension_semantics<subcore_parallel>], iteration_bounds = array<i64: 2, 16>, scalar_prefetch = 0 : i64, scratch_operands = 10 : i64, tpu.core_type = #tpu.core_type<sc_vector_subcore>, window_params = [{transform_indices = #map}, {transform_indices = #map}, {transform_indices = #map}]} {
    %mul3A = arith.constant 2 : i32
    %mul3A_0 = arith.muli %arg1, %mul3A : i32
    %add3A = arith.addi %mul3A_0, %arg0 : i32
    %mul3A_1 = arith.constant 800 : i32
    %mul3A_2 = arith.muli %add3A, %mul3A_1 : i32
    %mul3A_3 = arith.constant 128 : i32
    %mul3A_4 = arith.muli %mul3A_2, %mul3A_3 : i32
    %add3A_5 = arith.constant 0 : i32
    %add3A_6 = arith.addi %mul3A_2, %add3A_5 : i32
    %dma_start3A = arith.constant 0 : i32
    %dma_start3A_7 = tpu.memref_slice %arg2[%add3A_6, %dma_start3A] : memref<25600x128xi32, #tpu.memory_space<hbm>> -> memref<4x128xi32, #tpu.memory_space<hbm>>
    %dma_start3A_8 = arith.constant 0 : i32
    %dma_start3A_9 = tpu.memref_slice %arg2[%add3A_6, %dma_start3A_8] : memref<25600x128xi32, #tpu.memory_space<hbm>> -> memref<4x128xi32, #tpu.memory_space<hbm>>
    tpu.enqueue_dma source(%dma_start3A_9 : memref<4x128xi32, #tpu.memory_space<hbm>>) target(%arg5 : memref<4x128xi32, #tpu.memory_space<vmem>>) target_semaphore(%arg9 : memref<!tpu.dma_semaphore, #tpu.memory_space<semaphore_mem>>)
    %dma_wait3A = arith.constant 0 : i32
    %dma_wait3A_10 = tpu.memref_slice %arg2[%add3A_6, %dma_wait3A] : memref<25600x128xi32, #tpu.memory_space<hbm>> -> memref<4x128xi32, #tpu.memory_space<hbm>>
    %dma_wait3A_11 = arith.constant 0 : i32
    %dma_wait3A_12 = tpu.memref_slice %arg2[%add3A_6, %dma_wait3A_11] : memref<25600x128xi32, #tpu.memory_space<hbm>> -> memref<4x128xi32, #tpu.memory_space<hbm>>
    tpu.wait_dma2 semaphore(%arg9 : memref<!tpu.dma_semaphore, #tpu.memory_space<semaphore_mem>>) src(%dma_wait3A_12 : memref<4x128xi32, #tpu.memory_space<hbm>>) dst(%arg5 : memref<4x128xi32, #tpu.memory_space<vmem>>)
    %add3A_13 = arith.constant 4 : i32
    %add3A_14 = arith.addi %mul3A_2, %add3A_13 : i32
    %dma_start3A_15 = arith.constant 0 : i32
    %dma_start3A_16 = tpu.memref_slice %arg2[%add3A_14, %dma_start3A_15] : memref<25600x128xi32, #tpu.memory_space<hbm>> -> memref<4x128xi32, #tpu.memory_space<hbm>>
    %dma_start3A_17 = arith.constant 0 : i32
    %dma_start3A_18 = tpu.memref_slice %arg2[%add3A_14, %dma_start3A_17] : memref<25600x128xi32, #tpu.memory_space<hbm>> -> memref<4x128xi32, #tpu.memory_space<hbm>>
    tpu.enqueue_dma source(%dma_start3A_18 : memref<4x128xi32, #tpu.memory_space<hbm>>) target(%arg6 : memref<4x128xi32, #tpu.memory_space<vmem>>) target_semaphore(%arg10 : memref<!tpu.dma_semaphore, #tpu.memory_space<semaphore_mem>>)
    %dma_start3A_19 = arith.constant 0 : i32
    %dma_start3A_20 = arith.constant 0 : i32
    %dma_start3A_21 = arith.constant 0 : i32
    %dma_start3A_22 = tpu.memref_slice %arg7[%dma_start3A_20, %dma_start3A_21] : memref<512x64xf32, #tpu.memory_space<vmem>> -> memref<128x64xf32, #tpu.memory_space<vmem>>
    %dma_start3A_23 = arith.constant 0 : i32
    %dma_start3A_24 = tpu.memref_slice %arg5[%dma_start3A_19, %dma_start3A_23] : memref<4x128xi32, #tpu.memory_space<vmem>> -> memref<1x128xi32, #tpu.memory_space<vmem>>
    %dma_start3A_25 = tpu.memref_squeeze %dma_start3A_24 : memref<1x128xi32, #tpu.memory_space<vmem>> -> memref<128xi32, #tpu.memory_space<vmem>>
    %dma_start3A_26 = arith.constant 0 : i32
    %dma_start3A_27 = arith.constant 0 : i32
    %dma_start3A_28 = tpu.memref_slice %arg3[%dma_start3A_26, %dma_start3A_27] : memref<1000000x64xf32, #tpu.memory_space<hbm>> -> memref<1000000x64xf32, #tpu.memory_space<hbm>>
    tpu.enqueue_indirect_dma source(%dma_start3A_28 : memref<1000000x64xf32, #tpu.memory_space<hbm>>) target(%dma_start3A_22 : memref<128x64xf32, #tpu.memory_space<vmem>>) offsets(%dma_start3A_25 : memref<128xi32, #tpu.memory_space<vmem>>) semaphore(%arg11 : memref<!tpu.dma_semaphore, #tpu.memory_space<semaphore_mem>>)
    %dma_start3A_29 = arith.constant 1 : i32
    %dma_start3A_30 = arith.constant 128 : i32
    %dma_start3A_31 = arith.constant 0 : i32
    %dma_start3A_32 = tpu.memref_slice %arg7[%dma_start3A_30, %dma_start3A_31] : memref<512x64xf32, #tpu.memory_space<vmem>> -> memref<128x64xf32, #tpu.memory_space<vmem>>
    %dma_start3A_33 = arith.constant 0 : i32
    %dma_start3A_34 = tpu.memref_slice %arg5[%dma_start3A_29, %dma_start3A_33] : memref<4x128xi32, #tpu.memory_space<vmem>> -> memref<1x128xi32, #tpu.memory_space<vmem>>
    %dma_start3A_35 = tpu.memref_squeeze %dma_start3A_34 : memref<1x128xi32, #tpu.memory_space<vmem>> -> memref<128xi32, #tpu.memory_space<vmem>>
    %dma_start3A_36 = arith.constant 0 : i32
    %dma_start3A_37 = arith.constant 0 : i32
    %dma_start3A_38 = tpu.memref_slice %arg3[%dma_start3A_36, %dma_start3A_37] : memref<1000000x64xf32, #tpu.memory_space<hbm>> -> memref<1000000x64xf32, #tpu.memory_space<hbm>>
    tpu.enqueue_indirect_dma source(%dma_start3A_38 : memref<1000000x64xf32, #tpu.memory_space<hbm>>) target(%dma_start3A_32 : memref<128x64xf32, #tpu.memory_space<vmem>>) offsets(%dma_start3A_35 : memref<128xi32, #tpu.memory_space<vmem>>) semaphore(%arg11 : memref<!tpu.dma_semaphore, #tpu.memory_space<semaphore_mem>>)
    %dma_start3A_39 = arith.constant 2 : i32
    %dma_start3A_40 = arith.constant 256 : i32
    %dma_start3A_41 = arith.constant 0 : i32
    %dma_start3A_42 = tpu.memref_slice %arg7[%dma_start3A_40, %dma_start3A_41] : memref<512x64xf32, #tpu.memory_space<vmem>> -> memref<128x64xf32, #tpu.memory_space<vmem>>
    %dma_start3A_43 = arith.constant 0 : i32
    %dma_start3A_44 = tpu.memref_slice %arg5[%dma_start3A_39, %dma_start3A_43] : memref<4x128xi32, #tpu.memory_space<vmem>> -> memref<1x128xi32, #tpu.memory_space<vmem>>
    %dma_start3A_45 = tpu.memref_squeeze %dma_start3A_44 : memref<1x128xi32, #tpu.memory_space<vmem>> -> memref<128xi32, #tpu.memory_space<vmem>>
    %dma_start3A_46 = arith.constant 0 : i32
    %dma_start3A_47 = arith.constant 0 : i32
    %dma_start3A_48 = tpu.memref_slice %arg3[%dma_start3A_46, %dma_start3A_47] : memref<1000000x64xf32, #tpu.memory_space<hbm>> -> memref<1000000x64xf32, #tpu.memory_space<hbm>>
    tpu.enqueue_indirect_dma source(%dma_start3A_48 : memref<1000000x64xf32, #tpu.memory_space<hbm>>) target(%dma_start3A_42 : memref<128x64xf32, #tpu.memory_space<vmem>>) offsets(%dma_start3A_45 : memref<128xi32, #tpu.memory_space<vmem>>) semaphore(%arg11 : memref<!tpu.dma_semaphore, #tpu.memory_space<semaphore_mem>>)
    %dma_start3A_49 = arith.constant 3 : i32
    %dma_start3A_50 = arith.constant 384 : i32
    %dma_start3A_51 = arith.constant 0 : i32
    %dma_start3A_52 = tpu.memref_slice %arg7[%dma_start3A_50, %dma_start3A_51] : memref<512x64xf32, #tpu.memory_space<vmem>> -> memref<128x64xf32, #tpu.memory_space<vmem>>
    %dma_start3A_53 = arith.constant 0 : i32
    %dma_start3A_54 = tpu.memref_slice %arg5[%dma_start3A_49, %dma_start3A_53] : memref<4x128xi32, #tpu.memory_space<vmem>> -> memref<1x128xi32, #tpu.memory_space<vmem>>
    %dma_start3A_55 = tpu.memref_squeeze %dma_start3A_54 : memref<1x128xi32, #tpu.memory_space<vmem>> -> memref<128xi32, #tpu.memory_space<vmem>>
    %dma_start3A_56 = arith.constant 0 : i32
    %dma_start3A_57 = arith.constant 0 : i32
    %dma_start3A_58 = tpu.memref_slice %arg3[%dma_start3A_56, %dma_start3A_57] : memref<1000000x64xf32, #tpu.memory_space<hbm>> -> memref<1000000x64xf32, #tpu.memory_space<hbm>>
    tpu.enqueue_indirect_dma source(%dma_start3A_58 : memref<1000000x64xf32, #tpu.memory_space<hbm>>) target(%dma_start3A_52 : memref<128x64xf32, #tpu.memory_space<vmem>>) offsets(%dma_start3A_55 : memref<128xi32, #tpu.memory_space<vmem>>) semaphore(%arg11 : memref<!tpu.dma_semaphore, #tpu.memory_space<semaphore_mem>>)
    %scan3A = arith.constant 0 : i32
    %scan3A_59 = arith.constant 0 : i32
    %scan3A_60 = arith.constant 100 : i32
    %scan3A_61 = arith.addi %scan3A_59, %scan3A_60 : i32
    %scan3A_62 = arith.constant 1 : i32
    scf.for %scan3A_70 = %scan3A_59 to %scan3A_61 step %scan3A_62  : i32 {
      %mul3A_71 = arith.constant 2 : i32
      %mul3A_72 = arith.muli %scan3A_70, %mul3A_71 : i32
      %add3A_73 = arith.constant 0 : i32
      %add3A_74 = arith.addi %mul3A_72, %add3A_73 : i32
      %dma_wait3A_75 = arith.constant 0 : i32
      %dma_wait3A_76 = arith.constant 0 : i32
      %dma_wait3A_77 = arith.constant 0 : i32
      %dma_wait3A_78 = tpu.memref_slice %arg7[%dma_wait3A_76, %dma_wait3A_77] : memref<512x64xf32, #tpu.memory_space<vmem>> -> memref<128x64xf32, #tpu.memory_space<vmem>>
      %dma_wait3A_79 = arith.constant 0 : i32
      %dma_wait3A_80 = tpu.memref_slice %arg5[%dma_wait3A_75, %dma_wait3A_79] : memref<4x128xi32, #tpu.memory_space<vmem>> -> memref<1x128xi32, #tpu.memory_space<vmem>>
      %dma_wait3A_81 = tpu.memref_squeeze %dma_wait3A_80 : memref<1x128xi32, #tpu.memory_space<vmem>> -> memref<128xi32, #tpu.memory_space<vmem>>
      %dma_wait3A_82 = arith.constant 0 : i32
      %dma_wait3A_83 = arith.constant 0 : i32
      %dma_wait3A_84 = tpu.memref_slice %arg3[%dma_wait3A_82, %dma_wait3A_83] : memref<1000000x64xf32, #tpu.memory_space<hbm>> -> memref<1000000x64xf32, #tpu.memory_space<hbm>>
      tpu.wait_indirect_dma semaphore(%arg11 : memref<!tpu.dma_semaphore, #tpu.memory_space<semaphore_mem>>) src(%dma_wait3A_84 : memref<1000000x64xf32, #tpu.memory_space<hbm>>) dst(%dma_wait3A_78 : memref<128x64xf32, #tpu.memory_space<vmem>>)
      %dma_wait3A_85 = arith.constant 1 : i32
      %dma_wait3A_86 = arith.constant 128 : i32
      %dma_wait3A_87 = arith.constant 0 : i32
      %dma_wait3A_88 = tpu.memref_slice %arg7[%dma_wait3A_86, %dma_wait3A_87] : memref<512x64xf32, #tpu.memory_space<vmem>> -> memref<128x64xf32, #tpu.memory_space<vmem>>
      %dma_wait3A_89 = arith.constant 0 : i32
      %dma_wait3A_90 = tpu.memref_slice %arg5[%dma_wait3A_85, %dma_wait3A_89] : memref<4x128xi32, #tpu.memory_space<vmem>> -> memref<1x128xi32, #tpu.memory_space<vmem>>
      %dma_wait3A_91 = tpu.memref_squeeze %dma_wait3A_90 : memref<1x128xi32, #tpu.memory_space<vmem>> -> memref<128xi32, #tpu.memory_space<vmem>>
      %dma_wait3A_92 = arith.constant 0 : i32
      %dma_wait3A_93 = arith.constant 0 : i32
      %dma_wait3A_94 = tpu.memref_slice %arg3[%dma_wait3A_92, %dma_wait3A_93] : memref<1000000x64xf32, #tpu.memory_space<hbm>> -> memref<1000000x64xf32, #tpu.memory_space<hbm>>
      tpu.wait_indirect_dma semaphore(%arg11 : memref<!tpu.dma_semaphore, #tpu.memory_space<semaphore_mem>>) src(%dma_wait3A_94 : memref<1000000x64xf32, #tpu.memory_space<hbm>>) dst(%dma_wait3A_88 : memref<128x64xf32, #tpu.memory_space<vmem>>)
      %dma_wait3A_95 = arith.constant 2 : i32
      %dma_wait3A_96 = arith.constant 256 : i32
      %dma_wait3A_97 = arith.constant 0 : i32
      %dma_wait3A_98 = tpu.memref_slice %arg7[%dma_wait3A_96, %dma_wait3A_97] : memref<512x64xf32, #tpu.memory_space<vmem>> -> memref<128x64xf32, #tpu.memory_space<vmem>>
      %dma_wait3A_99 = arith.constant 0 : i32
      %dma_wait3A_100 = tpu.memref_slice %arg5[%dma_wait3A_95, %dma_wait3A_99] : memref<4x128xi32, #tpu.memory_space<vmem>> -> memref<1x128xi32, #tpu.memory_space<vmem>>
      %dma_wait3A_101 = tpu.memref_squeeze %dma_wait3A_100 : memref<1x128xi32, #tpu.memory_space<vmem>> -> memref<128xi32, #tpu.memory_space<vmem>>
      %dma_wait3A_102 = arith.constant 0 : i32
      %dma_wait3A_103 = arith.constant 0 : i32
      %dma_wait3A_104 = tpu.memref_slice %arg3[%dma_wait3A_102, %dma_wait3A_103] : memref<1000000x64xf32, #tpu.memory_space<hbm>> -> memref<1000000x64xf32, #tpu.memory_space<hbm>>
      tpu.wait_indirect_dma semaphore(%arg11 : memref<!tpu.dma_semaphore, #tpu.memory_space<semaphore_mem>>) src(%dma_wait3A_104 : memref<1000000x64xf32, #tpu.memory_space<hbm>>) dst(%dma_wait3A_98 : memref<128x64xf32, #tpu.memory_space<vmem>>)
      %dma_wait3A_105 = arith.constant 3 : i32
      %dma_wait3A_106 = arith.constant 384 : i32
      %dma_wait3A_107 = arith.constant 0 : i32
      %dma_wait3A_108 = tpu.memref_slice %arg7[%dma_wait3A_106, %dma_wait3A_107] : memref<512x64xf32, #tpu.memory_space<vmem>> -> memref<128x64xf32, #tpu.memory_space<vmem>>
      %dma_wait3A_109 = arith.constant 0 : i32
      %dma_wait3A_110 = tpu.memref_slice %arg5[%dma_wait3A_105, %dma_wait3A_109] : memref<4x128xi32, #tpu.memory_space<vmem>> -> memref<1x128xi32, #tpu.memory_space<vmem>>
      %dma_wait3A_111 = tpu.memref_squeeze %dma_wait3A_110 : memref<1x128xi32, #tpu.memory_space<vmem>> -> memref<128xi32, #tpu.memory_space<vmem>>
      %dma_wait3A_112 = arith.constant 0 : i32
      %dma_wait3A_113 = arith.constant 0 : i32
      %dma_wait3A_114 = tpu.memref_slice %arg3[%dma_wait3A_112, %dma_wait3A_113] : memref<1000000x64xf32, #tpu.memory_space<hbm>> -> memref<1000000x64xf32, #tpu.memory_space<hbm>>
      tpu.wait_indirect_dma semaphore(%arg11 : memref<!tpu.dma_semaphore, #tpu.memory_space<semaphore_mem>>) src(%dma_wait3A_114 : memref<1000000x64xf32, #tpu.memory_space<hbm>>) dst(%dma_wait3A_108 : memref<128x64xf32, #tpu.memory_space<vmem>>)
      %gt3A = arith.constant 0 : i32
      %gt3A_115 = arith.cmpi sgt, %add3A_74, %gt3A : i32
      %convert_element_type3A = arith.extui %gt3A_115 : i1 to i32
      %cond3A = arith.constant 0 : i32
      %cond3A_116 = arith.cmpi ne, %convert_element_type3A, %cond3A : i32
      scf.if %cond3A_116 {
        %add3A_219 = arith.constant 0 : i32
        %add3A_220 = arith.addi %mul3A_4, %add3A_219 : i32
        %dma_wait3A_221 = arith.constant 0 : i32
        %dma_wait3A_222 = tpu.memref_slice %arg4[%add3A_220, %dma_wait3A_221] : memref<3276800x64xf32, #tpu.memory_space<hbm>> -> memref<512x64xf32, #tpu.memory_space<hbm>>
        %dma_wait3A_223 = arith.constant 0 : i32
        %dma_wait3A_224 = tpu.memref_slice %arg4[%add3A_220, %dma_wait3A_223] : memref<3276800x64xf32, #tpu.memory_space<hbm>> -> memref<512x64xf32, #tpu.memory_space<hbm>>
        tpu.wait_dma2 semaphore(%arg14 : memref<!tpu.dma_semaphore, #tpu.memory_space<semaphore_mem>>) src(%arg8 : memref<512x64xf32, #tpu.memory_space<vmem>>) dst(%dma_wait3A_224 : memref<512x64xf32, #tpu.memory_space<hbm>>)
      } else {
      }
      %add3A_117 = arith.constant 1 : i32
      %add3A_118 = arith.addi %add3A_74, %add3A_117 : i32
      %lt3A = arith.constant 200 : i32
      %lt3A_119 = arith.cmpi slt, %add3A_118, %lt3A : i32
      %convert_element_type3A_120 = arith.extui %lt3A_119 : i1 to i32
      %cond3A_121 = arith.constant 0 : i32
      %cond3A_122 = arith.cmpi ne, %convert_element_type3A_120, %cond3A_121 : i32
      scf.if %cond3A_122 {
        %add3A_219 = arith.constant 0 : i32
        %add3A_220 = arith.addi %mul3A_2, %add3A_219 : i32
        %dma_wait3A_221 = arith.constant 0 : i32
        %dma_wait3A_222 = tpu.memref_slice %arg2[%add3A_220, %dma_wait3A_221] : memref<25600x128xi32, #tpu.memory_space<hbm>> -> memref<4x128xi32, #tpu.memory_space<hbm>>
        %dma_wait3A_223 = arith.constant 0 : i32
        %dma_wait3A_224 = tpu.memref_slice %arg2[%add3A_220, %dma_wait3A_223] : memref<25600x128xi32, #tpu.memory_space<hbm>> -> memref<4x128xi32, #tpu.memory_space<hbm>>
        tpu.wait_dma2 semaphore(%arg10 : memref<!tpu.dma_semaphore, #tpu.memory_space<semaphore_mem>>) src(%dma_wait3A_224 : memref<4x128xi32, #tpu.memory_space<hbm>>) dst(%arg6 : memref<4x128xi32, #tpu.memory_space<vmem>>)
        %dma_start3A_225 = arith.constant 0 : i32
        %dma_start3A_226 = arith.constant 0 : i32
        %dma_start3A_227 = arith.constant 0 : i32
        %dma_start3A_228 = tpu.memref_slice %arg8[%dma_start3A_226, %dma_start3A_227] : memref<512x64xf32, #tpu.memory_space<vmem>> -> memref<128x64xf32, #tpu.memory_space<vmem>>
        %dma_start3A_229 = arith.constant 0 : i32
        %dma_start3A_230 = tpu.memref_slice %arg6[%dma_start3A_225, %dma_start3A_229] : memref<4x128xi32, #tpu.memory_space<vmem>> -> memref<1x128xi32, #tpu.memory_space<vmem>>
        %dma_start3A_231 = tpu.memref_squeeze %dma_start3A_230 : memref<1x128xi32, #tpu.memory_space<vmem>> -> memref<128xi32, #tpu.memory_space<vmem>>
        %dma_start3A_232 = arith.constant 0 : i32
        %dma_start3A_233 = arith.constant 0 : i32
        %dma_start3A_234 = tpu.memref_slice %arg3[%dma_start3A_232, %dma_start3A_233] : memref<1000000x64xf32, #tpu.memory_space<hbm>> -> memref<1000000x64xf32, #tpu.memory_space<hbm>>
        tpu.enqueue_indirect_dma source(%dma_start3A_234 : memref<1000000x64xf32, #tpu.memory_space<hbm>>) target(%dma_start3A_228 : memref<128x64xf32, #tpu.memory_space<vmem>>) offsets(%dma_start3A_231 : memref<128xi32, #tpu.memory_space<vmem>>) semaphore(%arg12 : memref<!tpu.dma_semaphore, #tpu.memory_space<semaphore_mem>>)
        %dma_start3A_235 = arith.constant 1 : i32
        %dma_start3A_236 = arith.constant 128 : i32
        %dma_start3A_237 = arith.constant 0 : i32
        %dma_start3A_238 = tpu.memref_slice %arg8[%dma_start3A_236, %dma_start3A_237] : memref<512x64xf32, #tpu.memory_space<vmem>> -> memref<128x64xf32, #tpu.memory_space<vmem>>
        %dma_start3A_239 = arith.constant 0 : i32
        %dma_start3A_240 = tpu.memref_slice %arg6[%dma_start3A_235, %dma_start3A_239] : memref<4x128xi32, #tpu.memory_space<vmem>> -> memref<1x128xi32, #tpu.memory_space<vmem>>
        %dma_start3A_241 = tpu.memref_squeeze %dma_start3A_240 : memref<1x128xi32, #tpu.memory_space<vmem>> -> memref<128xi32, #tpu.memory_space<vmem>>
        %dma_start3A_242 = arith.constant 0 : i32
        %dma_start3A_243 = arith.constant 0 : i32
        %dma_start3A_244 = tpu.memref_slice %arg3[%dma_start3A_242, %dma_start3A_243] : memref<1000000x64xf32, #tpu.memory_space<hbm>> -> memref<1000000x64xf32, #tpu.memory_space<hbm>>
        tpu.enqueue_indirect_dma source(%dma_start3A_244 : memref<1000000x64xf32, #tpu.memory_space<hbm>>) target(%dma_start3A_238 : memref<128x64xf32, #tpu.memory_space<vmem>>) offsets(%dma_start3A_241 : memref<128xi32, #tpu.memory_space<vmem>>) semaphore(%arg12 : memref<!tpu.dma_semaphore, #tpu.memory_space<semaphore_mem>>)
        %dma_start3A_245 = arith.constant 2 : i32
        %dma_start3A_246 = arith.constant 256 : i32
        %dma_start3A_247 = arith.constant 0 : i32
        %dma_start3A_248 = tpu.memref_slice %arg8[%dma_start3A_246, %dma_start3A_247] : memref<512x64xf32, #tpu.memory_space<vmem>> -> memref<128x64xf32, #tpu.memory_space<vmem>>
        %dma_start3A_249 = arith.constant 0 : i32
        %dma_start3A_250 = tpu.memref_slice %arg6[%dma_start3A_245, %dma_start3A_249] : memref<4x128xi32, #tpu.memory_space<vmem>> -> memref<1x128xi32, #tpu.memory_space<vmem>>
        %dma_start3A_251 = tpu.memref_squeeze %dma_start3A_250 : memref<1x128xi32, #tpu.memory_space<vmem>> -> memref<128xi32, #tpu.memory_space<vmem>>
        %dma_start3A_252 = arith.constant 0 : i32
        %dma_start3A_253 = arith.constant 0 : i32
        %dma_start3A_254 = tpu.memref_slice %arg3[%dma_start3A_252, %dma_start3A_253] : memref<1000000x64xf32, #tpu.memory_space<hbm>> -> memref<1000000x64xf32, #tpu.memory_space<hbm>>
        tpu.enqueue_indirect_dma source(%dma_start3A_254 : memref<1000000x64xf32, #tpu.memory_space<hbm>>) target(%dma_start3A_248 : memref<128x64xf32, #tpu.memory_space<vmem>>) offsets(%dma_start3A_251 : memref<128xi32, #tpu.memory_space<vmem>>) semaphore(%arg12 : memref<!tpu.dma_semaphore, #tpu.memory_space<semaphore_mem>>)
        %dma_start3A_255 = arith.constant 3 : i32
        %dma_start3A_256 = arith.constant 384 : i32
        %dma_start3A_257 = arith.constant 0 : i32
        %dma_start3A_258 = tpu.memref_slice %arg8[%dma_start3A_256, %dma_start3A_257] : memref<512x64xf32, #tpu.memory_space<vmem>> -> memref<128x64xf32, #tpu.memory_space<vmem>>
        %dma_start3A_259 = arith.constant 0 : i32
        %dma_start3A_260 = tpu.memref_slice %arg6[%dma_start3A_255, %dma_start3A_259] : memref<4x128xi32, #tpu.memory_space<vmem>> -> memref<1x128xi32, #tpu.memory_space<vmem>>
        %dma_start3A_261 = tpu.memref_squeeze %dma_start3A_260 : memref<1x128xi32, #tpu.memory_space<vmem>> -> memref<128xi32, #tpu.memory_space<vmem>>
        %dma_start3A_262 = arith.constant 0 : i32
        %dma_start3A_263 = arith.constant 0 : i32
        %dma_start3A_264 = tpu.memref_slice %arg3[%dma_start3A_262, %dma_start3A_263] : memref<1000000x64xf32, #tpu.memory_space<hbm>> -> memref<1000000x64xf32, #tpu.memory_space<hbm>>
        tpu.enqueue_indirect_dma source(%dma_start3A_264 : memref<1000000x64xf32, #tpu.memory_space<hbm>>) target(%dma_start3A_258 : memref<128x64xf32, #tpu.memory_space<vmem>>) offsets(%dma_start3A_261 : memref<128xi32, #tpu.memory_space<vmem>>) semaphore(%arg12 : memref<!tpu.dma_semaphore, #tpu.memory_space<semaphore_mem>>)
      } else {
      }
      %add3A_123 = arith.constant 2 : i32
      %add3A_124 = arith.addi %add3A_74, %add3A_123 : i32
      %lt3A_125 = arith.constant 200 : i32
      %lt3A_126 = arith.cmpi slt, %add3A_124, %lt3A_125 : i32
      %convert_element_type3A_127 = arith.extui %lt3A_126 : i1 to i32
      %cond3A_128 = arith.constant 0 : i32
      %cond3A_129 = arith.cmpi ne, %convert_element_type3A_127, %cond3A_128 : i32
      scf.if %cond3A_129 {
        %add3A_219 = arith.constant 2 : i32
        %add3A_220 = arith.addi %add3A_74, %add3A_219 : i32
        %mul3A_221 = arith.constant 4 : i32
        %mul3A_222 = arith.muli %add3A_220, %mul3A_221 : i32
        %add3A_223 = arith.addi %mul3A_2, %mul3A_222 : i32
        %dma_start3A_224 = arith.constant 0 : i32
        %dma_start3A_225 = tpu.memref_slice %arg2[%add3A_223, %dma_start3A_224] : memref<25600x128xi32, #tpu.memory_space<hbm>> -> memref<4x128xi32, #tpu.memory_space<hbm>>
        %dma_start3A_226 = arith.constant 0 : i32
        %dma_start3A_227 = tpu.memref_slice %arg2[%add3A_223, %dma_start3A_226] : memref<25600x128xi32, #tpu.memory_space<hbm>> -> memref<4x128xi32, #tpu.memory_space<hbm>>
        tpu.enqueue_dma source(%dma_start3A_227 : memref<4x128xi32, #tpu.memory_space<hbm>>) target(%arg5 : memref<4x128xi32, #tpu.memory_space<vmem>>) target_semaphore(%arg9 : memref<!tpu.dma_semaphore, #tpu.memory_space<semaphore_mem>>)
      } else {
      }
      %scan3A_130 = arith.constant 0 : i32
      %scan3A_131 = arith.constant 0 : i32
      %scan3A_132 = arith.constant 512 : i32
      %scan3A_133 = arith.addi %scan3A_131, %scan3A_132 : i32
      %scan3A_134 = arith.constant 2 : i32
      scf.for %scan3A_219 = %scan3A_131 to %scan3A_133 step %scan3A_134  : i32 {
        %get3A = arith.index_cast %scan3A_219 : i32 to index
        %get3A_220 = arith.constant 0 : index
        %get3A_221 = tpu.vector_load %arg7[%get3A, %get3A_220] {strides = array<i32>} : memref<512x64xf32, #tpu.memory_space<vmem>>, vector<1x16xf32>,
        %get3A_222 = vector.shape_cast %get3A_221 : vector<1x16xf32> to vector<16xf32>
        %mul3A_223 = arith.constant 8.000000e+00 : f32
        %mul3A_224 = vector.broadcast %mul3A_223 : f32 to vector<16xf32>
        %mul3A_225 = arith.mulf %get3A_222, %mul3A_224 : vector<16xf32>
        %swap3A = arith.index_cast %scan3A_219 : i32 to index
        %swap3A_226 = arith.constant 0 : index
        %swap3A_227 = tpu.vector_load %arg7[%swap3A, %swap3A_226] {strides = array<i32>} : memref<512x64xf32, #tpu.memory_space<vmem>>, vector<1x16xf32>,
        %swap3A_228 = vector.shape_cast %swap3A_227 : vector<1x16xf32> to vector<16xf32>
        %swap3A_229 = vector.shape_cast %mul3A_225 : vector<16xf32> to vector<1x16xf32>
        tpu.vector_store %arg7[%swap3A, %swap3A_226], %swap3A_229 {strides = array<i32>} : memref<512x64xf32, #tpu.memory_space<vmem>>, vector<1x16xf32>,
        %get3A_230 = arith.index_cast %scan3A_219 : i32 to index
        %get3A_231 = arith.constant 16 : index
        %get3A_232 = tpu.vector_load %arg7[%get3A_230, %get3A_231] {strides = array<i32>} : memref<512x64xf32, #tpu.memory_space<vmem>>, vector<1x16xf32>,
        %get3A_233 = vector.shape_cast %get3A_232 : vector<1x16xf32> to vector<16xf32>
        %mul3A_234 = arith.constant 8.000000e+00 : f32
        %mul3A_235 = vector.broadcast %mul3A_234 : f32 to vector<16xf32>
        %mul3A_236 = arith.mulf %get3A_233, %mul3A_235 : vector<16xf32>
        %swap3A_237 = arith.index_cast %scan3A_219 : i32 to index
        %swap3A_238 = arith.constant 16 : index
        %swap3A_239 = tpu.vector_load %arg7[%swap3A_237, %swap3A_238] {strides = array<i32>} : memref<512x64xf32, #tpu.memory_space<vmem>>, vector<1x16xf32>,
        %swap3A_240 = vector.shape_cast %swap3A_239 : vector<1x16xf32> to vector<16xf32>
        %swap3A_241 = vector.shape_cast %mul3A_236 : vector<16xf32> to vector<1x16xf32>
        tpu.vector_store %arg7[%swap3A_237, %swap3A_238], %swap3A_241 {strides = array<i32>} : memref<512x64xf32, #tpu.memory_space<vmem>>, vector<1x16xf32>,
        %get3A_242 = arith.index_cast %scan3A_219 : i32 to index
        %get3A_243 = arith.constant 32 : index
        %get3A_244 = tpu.vector_load %arg7[%get3A_242, %get3A_243] {strides = array<i32>} : memref<512x64xf32, #tpu.memory_space<vmem>>, vector<1x16xf32>,
        %get3A_245 = vector.shape_cast %get3A_244 : vector<1x16xf32> to vector<16xf32>
        %mul3A_246 = arith.constant 8.000000e+00 : f32
        %mul3A_247 = vector.broadcast %mul3A_246 : f32 to vector<16xf32>
        %mul3A_248 = arith.mulf %get3A_245, %mul3A_247 : vector<16xf32>
        %swap3A_249 = arith.index_cast %scan3A_219 : i32 to index
        %swap3A_250 = arith.constant 32 : index
        %swap3A_251 = tpu.vector_load %arg7[%swap3A_249, %swap3A_250] {strides = array<i32>} : memref<512x64xf32, #tpu.memory_space<vmem>>, vector<1x16xf32>,
        %swap3A_252 = vector.shape_cast %swap3A_251 : vector<1x16xf32> to vector<16xf32>
        %swap3A_253 = vector.shape_cast %mul3A_248 : vector<16xf32> to vector<1x16xf32>
        tpu.vector_store %arg7[%swap3A_249, %swap3A_250], %swap3A_253 {strides = array<i32>} : memref<512x64xf32, #tpu.memory_space<vmem>>, vector<1x16xf32>,
        %get3A_254 = arith.index_cast %scan3A_219 : i32 to index
        %get3A_255 = arith.constant 48 : index
        %get3A_256 = tpu.vector_load %arg7[%get3A_254, %get3A_255] {strides = array<i32>} : memref<512x64xf32, #tpu.memory_space<vmem>>, vector<1x16xf32>,
        %get3A_257 = vector.shape_cast %get3A_256 : vector<1x16xf32> to vector<16xf32>
        %mul3A_258 = arith.constant 8.000000e+00 : f32
        %mul3A_259 = vector.broadcast %mul3A_258 : f32 to vector<16xf32>
        %mul3A_260 = arith.mulf %get3A_257, %mul3A_259 : vector<16xf32>
        %swap3A_261 = arith.index_cast %scan3A_219 : i32 to index
        %swap3A_262 = arith.constant 48 : index
        %swap3A_263 = tpu.vector_load %arg7[%swap3A_261, %swap3A_262] {strides = array<i32>} : memref<512x64xf32, #tpu.memory_space<vmem>>, vector<1x16xf32>,
        %swap3A_264 = vector.shape_cast %swap3A_263 : vector<1x16xf32> to vector<16xf32>
        %swap3A_265 = vector.shape_cast %mul3A_260 : vector<16xf32> to vector<1x16xf32>
        tpu.vector_store %arg7[%swap3A_261, %swap3A_262], %swap3A_265 {strides = array<i32>} : memref<512x64xf32, #tpu.memory_space<vmem>>, vector<1x16xf32>,
        %scan3A_266 = arith.constant 1 : i32
        %scan3A_267 = arith.addi %scan3A_219, %scan3A_266 : i32
        %get3A_268 = arith.index_cast %scan3A_267 : i32 to index
        %get3A_269 = arith.constant 0 : index
        %get3A_270 = tpu.vector_load %arg7[%get3A_268, %get3A_269] {strides = array<i32>} : memref<512x64xf32, #tpu.memory_space<vmem>>, vector<1x16xf32>,
        %get3A_271 = vector.shape_cast %get3A_270 : vector<1x16xf32> to vector<16xf32>
        %mul3A_272 = arith.constant 8.000000e+00 : f32
        %mul3A_273 = vector.broadcast %mul3A_272 : f32 to vector<16xf32>
        %mul3A_274 = arith.mulf %get3A_271, %mul3A_273 : vector<16xf32>
        %swap3A_275 = arith.index_cast %scan3A_267 : i32 to index
        %swap3A_276 = arith.constant 0 : index
        %swap3A_277 = tpu.vector_load %arg7[%swap3A_275, %swap3A_276] {strides = array<i32>} : memref<512x64xf32, #tpu.memory_space<vmem>>, vector<1x16xf32>,
        %swap3A_278 = vector.shape_cast %swap3A_277 : vector<1x16xf32> to vector<16xf32>
        %swap3A_279 = vector.shape_cast %mul3A_274 : vector<16xf32> to vector<1x16xf32>
        tpu.vector_store %arg7[%swap3A_275, %swap3A_276], %swap3A_279 {strides = array<i32>} : memref<512x64xf32, #tpu.memory_space<vmem>>, vector<1x16xf32>,
        %get3A_280 = arith.index_cast %scan3A_267 : i32 to index
        %get3A_281 = arith.constant 16 : index
        %get3A_282 = tpu.vector_load %arg7[%get3A_280, %get3A_281] {strides = array<i32>} : memref<512x64xf32, #tpu.memory_space<vmem>>, vector<1x16xf32>,
        %get3A_283 = vector.shape_cast %get3A_282 : vector<1x16xf32> to vector<16xf32>
        %mul3A_284 = arith.constant 8.000000e+00 : f32
        %mul3A_285 = vector.broadcast %mul3A_284 : f32 to vector<16xf32>
        %mul3A_286 = arith.mulf %get3A_283, %mul3A_285 : vector<16xf32>
        %swap3A_287 = arith.index_cast %scan3A_267 : i32 to index
        %swap3A_288 = arith.constant 16 : index
        %swap3A_289 = tpu.vector_load %arg7[%swap3A_287, %swap3A_288] {strides = array<i32>} : memref<512x64xf32, #tpu.memory_space<vmem>>, vector<1x16xf32>,
        %swap3A_290 = vector.shape_cast %swap3A_289 : vector<1x16xf32> to vector<16xf32>
        %swap3A_291 = vector.shape_cast %mul3A_286 : vector<16xf32> to vector<1x16xf32>
        tpu.vector_store %arg7[%swap3A_287, %swap3A_288], %swap3A_291 {strides = array<i32>} : memref<512x64xf32, #tpu.memory_space<vmem>>, vector<1x16xf32>,
        %get3A_292 = arith.index_cast %scan3A_267 : i32 to index
        %get3A_293 = arith.constant 32 : index
        %get3A_294 = tpu.vector_load %arg7[%get3A_292, %get3A_293] {strides = array<i32>} : memref<512x64xf32, #tpu.memory_space<vmem>>, vector<1x16xf32>,
        %get3A_295 = vector.shape_cast %get3A_294 : vector<1x16xf32> to vector<16xf32>
        %mul3A_296 = arith.constant 8.000000e+00 : f32
        %mul3A_297 = vector.broadcast %mul3A_296 : f32 to vector<16xf32>
        %mul3A_298 = arith.mulf %get3A_295, %mul3A_297 : vector<16xf32>
        %swap3A_299 = arith.index_cast %scan3A_267 : i32 to index
        %swap3A_300 = arith.constant 32 : index
        %swap3A_301 = tpu.vector_load %arg7[%swap3A_299, %swap3A_300] {strides = array<i32>} : memref<512x64xf32, #tpu.memory_space<vmem>>, vector<1x16xf32>,
        %swap3A_302 = vector.shape_cast %swap3A_301 : vector<1x16xf32> to vector<16xf32>
        %swap3A_303 = vector.shape_cast %mul3A_298 : vector<16xf32> to vector<1x16xf32>
        tpu.vector_store %arg7[%swap3A_299, %swap3A_300], %swap3A_303 {strides = array<i32>} : memref<512x64xf32, #tpu.memory_space<vmem>>, vector<1x16xf32>,
        %get3A_304 = arith.index_cast %scan3A_267 : i32 to index
        %get3A_305 = arith.constant 48 : index
        %get3A_306 = tpu.vector_load %arg7[%get3A_304, %get3A_305] {strides = array<i32>} : memref<512x64xf32, #tpu.memory_space<vmem>>, vector<1x16xf32>,
        %get3A_307 = vector.shape_cast %get3A_306 : vector<1x16xf32> to vector<16xf32>
        %mul3A_308 = arith.constant 8.000000e+00 : f32
        %mul3A_309 = vector.broadcast %mul3A_308 : f32 to vector<16xf32>
        %mul3A_310 = arith.mulf %get3A_307, %mul3A_309 : vector<16xf32>
        %swap3A_311 = arith.index_cast %scan3A_267 : i32 to index
        %swap3A_312 = arith.constant 48 : index
        %swap3A_313 = tpu.vector_load %arg7[%swap3A_311, %swap3A_312] {strides = array<i32>} : memref<512x64xf32, #tpu.memory_space<vmem>>, vector<1x16xf32>,
        %swap3A_314 = vector.shape_cast %swap3A_313 : vector<1x16xf32> to vector<16xf32>
        %swap3A_315 = vector.shape_cast %mul3A_310 : vector<16xf32> to vector<1x16xf32>
        tpu.vector_store %arg7[%swap3A_311, %swap3A_312], %swap3A_315 {strides = array<i32>} : memref<512x64xf32, #tpu.memory_space<vmem>>, vector<1x16xf32>,
      }
      %scan3A_135 = arith.constant 512 : i32
      %mul3A_136 = arith.constant 512 : i32
      %mul3A_137 = arith.muli %add3A_74, %mul3A_136 : i32
      %add3A_138 = arith.addi %mul3A_4, %mul3A_137 : i32
      %dma_start3A_139 = arith.constant 0 : i32
      %dma_start3A_140 = tpu.memref_slice %arg4[%add3A_138, %dma_start3A_139] : memref<3276800x64xf32, #tpu.memory_space<hbm>> -> memref<512x64xf32, #tpu.memory_space<hbm>>
      %dma_start3A_141 = arith.constant 0 : i32
      %dma_start3A_142 = tpu.memref_slice %arg4[%add3A_138, %dma_start3A_141] : memref<3276800x64xf32, #tpu.memory_space<hbm>> -> memref<512x64xf32, #tpu.memory_space<hbm>>
      tpu.enqueue_dma source(%arg7 : memref<512x64xf32, #tpu.memory_space<vmem>>) target(%dma_start3A_142 : memref<512x64xf32, #tpu.memory_space<hbm>>) target_semaphore(%arg13 : memref<!tpu.dma_semaphore, #tpu.memory_space<semaphore_mem>>)
      %mul3A_143 = arith.constant 2 : i32
      %mul3A_144 = arith.muli %scan3A_70, %mul3A_143 : i32
      %add3A_145 = arith.constant 1 : i32
      %add3A_146 = arith.addi %mul3A_144, %add3A_145 : i32
      %dma_wait3A_147 = arith.constant 0 : i32
      %dma_wait3A_148 = arith.constant 0 : i32
      %dma_wait3A_149 = arith.constant 0 : i32
      %dma_wait3A_150 = tpu.memref_slice %arg8[%dma_wait3A_148, %dma_wait3A_149] : memref<512x64xf32, #tpu.memory_space<vmem>> -> memref<128x64xf32, #tpu.memory_space<vmem>>
      %dma_wait3A_151 = arith.constant 0 : i32
      %dma_wait3A_152 = tpu.memref_slice %arg6[%dma_wait3A_147, %dma_wait3A_151] : memref<4x128xi32, #tpu.memory_space<vmem>> -> memref<1x128xi32, #tpu.memory_space<vmem>>
      %dma_wait3A_153 = tpu.memref_squeeze %dma_wait3A_152 : memref<1x128xi32, #tpu.memory_space<vmem>> -> memref<128xi32, #tpu.memory_space<vmem>>
      %dma_wait3A_154 = arith.constant 0 : i32
      %dma_wait3A_155 = arith.constant 0 : i32
      %dma_wait3A_156 = tpu.memref_slice %arg3[%dma_wait3A_154, %dma_wait3A_155] : memref<1000000x64xf32, #tpu.memory_space<hbm>> -> memref<1000000x64xf32, #tpu.memory_space<hbm>>
      tpu.wait_indirect_dma semaphore(%arg12 : memref<!tpu.dma_semaphore, #tpu.memory_space<semaphore_mem>>) src(%dma_wait3A_156 : memref<1000000x64xf32, #tpu.memory_space<hbm>>) dst(%dma_wait3A_150 : memref<128x64xf32, #tpu.memory_space<vmem>>)
      %dma_wait3A_157 = arith.constant 1 : i32
      %dma_wait3A_158 = arith.constant 128 : i32
      %dma_wait3A_159 = arith.constant 0 : i32
      %dma_wait3A_160 = tpu.memref_slice %arg8[%dma_wait3A_158, %dma_wait3A_159] : memref<512x64xf32, #tpu.memory_space<vmem>> -> memref<128x64xf32, #tpu.memory_space<vmem>>
      %dma_wait3A_161 = arith.constant 0 : i32
      %dma_wait3A_162 = tpu.memref_slice %arg6[%dma_wait3A_157, %dma_wait3A_161] : memref<4x128xi32, #tpu.memory_space<vmem>> -> memref<1x128xi32, #tpu.memory_space<vmem>>
      %dma_wait3A_163 = tpu.memref_squeeze %dma_wait3A_162 : memref<1x128xi32, #tpu.memory_space<vmem>> -> memref<128xi32, #tpu.memory_space<vmem>>
      %dma_wait3A_164 = arith.constant 0 : i32
      %dma_wait3A_165 = arith.constant 0 : i32
      %dma_wait3A_166 = tpu.memref_slice %arg3[%dma_wait3A_164, %dma_wait3A_165] : memref<1000000x64xf32, #tpu.memory_space<hbm>> -> memref<1000000x64xf32, #tpu.memory_space<hbm>>
      tpu.wait_indirect_dma semaphore(%arg12 : memref<!tpu.dma_semaphore, #tpu.memory_space<semaphore_mem>>) src(%dma_wait3A_166 : memref<1000000x64xf32, #tpu.memory_space<hbm>>) dst(%dma_wait3A_160 : memref<128x64xf32, #tpu.memory_space<vmem>>)
      %dma_wait3A_167 = arith.constant 2 : i32
      %dma_wait3A_168 = arith.constant 256 : i32
      %dma_wait3A_169 = arith.constant 0 : i32
      %dma_wait3A_170 = tpu.memref_slice %arg8[%dma_wait3A_168, %dma_wait3A_169] : memref<512x64xf32, #tpu.memory_space<vmem>> -> memref<128x64xf32, #tpu.memory_space<vmem>>
      %dma_wait3A_171 = arith.constant 0 : i32
      %dma_wait3A_172 = tpu.memref_slice %arg6[%dma_wait3A_167, %dma_wait3A_171] : memref<4x128xi32, #tpu.memory_space<vmem>> -> memref<1x128xi32, #tpu.memory_space<vmem>>
      %dma_wait3A_173 = tpu.memref_squeeze %dma_wait3A_172 : memref<1x128xi32, #tpu.memory_space<vmem>> -> memref<128xi32, #tpu.memory_space<vmem>>
      %dma_wait3A_174 = arith.constant 0 : i32
      %dma_wait3A_175 = arith.constant 0 : i32
      %dma_wait3A_176 = tpu.memref_slice %arg3[%dma_wait3A_174, %dma_wait3A_175] : memref<1000000x64xf32, #tpu.memory_space<hbm>> -> memref<1000000x64xf32, #tpu.memory_space<hbm>>
      tpu.wait_indirect_dma semaphore(%arg12 : memref<!tpu.dma_semaphore, #tpu.memory_space<semaphore_mem>>) src(%dma_wait3A_176 : memref<1000000x64xf32, #tpu.memory_space<hbm>>) dst(%dma_wait3A_170 : memref<128x64xf32, #tpu.memory_space<vmem>>)
      %dma_wait3A_177 = arith.constant 3 : i32
      %dma_wait3A_178 = arith.constant 384 : i32
      %dma_wait3A_179 = arith.constant 0 : i32
      %dma_wait3A_180 = tpu.memref_slice %arg8[%dma_wait3A_178, %dma_wait3A_179] : memref<512x64xf32, #tpu.memory_space<vmem>> -> memref<128x64xf32, #tpu.memory_space<vmem>>
      %dma_wait3A_181 = arith.constant 0 : i32
      %dma_wait3A_182 = tpu.memref_slice %arg6[%dma_wait3A_177, %dma_wait3A_181] : memref<4x128xi32, #tpu.memory_space<vmem>> -> memref<1x128xi32, #tpu.memory_space<vmem>>
      %dma_wait3A_183 = tpu.memref_squeeze %dma_wait3A_182 : memref<1x128xi32, #tpu.memory_space<vmem>> -> memref<128xi32, #tpu.memory_space<vmem>>
      %dma_wait3A_184 = arith.constant 0 : i32
      %dma_wait3A_185 = arith.constant 0 : i32
      %dma_wait3A_186 = tpu.memref_slice %arg3[%dma_wait3A_184, %dma_wait3A_185] : memref<1000000x64xf32, #tpu.memory_space<hbm>> -> memref<1000000x64xf32, #tpu.memory_space<hbm>>
      tpu.wait_indirect_dma semaphore(%arg12 : memref<!tpu.dma_semaphore, #tpu.memory_space<semaphore_mem>>) src(%dma_wait3A_186 : memref<1000000x64xf32, #tpu.memory_space<hbm>>) dst(%dma_wait3A_180 : memref<128x64xf32, #tpu.memory_space<vmem>>)
      %gt3A_187 = arith.constant 0 : i32
      %gt3A_188 = arith.cmpi sgt, %add3A_146, %gt3A_187 : i32
      %convert_element_type3A_189 = arith.extui %gt3A_188 : i1 to i32
      %cond3A_190 = arith.constant 0 : i32
      %cond3A_191 = arith.cmpi ne, %convert_element_type3A_189, %cond3A_190 : i32
      scf.if %cond3A_191 {
        %add3A_219 = arith.constant 0 : i32
        %add3A_220 = arith.addi %mul3A_4, %add3A_219 : i32
        %dma_wait3A_221 = arith.constant 0 : i32
        %dma_wait3A_222 = tpu.memref_slice %arg4[%add3A_220, %dma_wait3A_221] : memref<3276800x64xf32, #tpu.memory_space<hbm>> -> memref<512x64xf32, #tpu.memory_space<hbm>>
        %dma_wait3A_223 = arith.constant 0 : i32
        %dma_wait3A_224 = tpu.memref_slice %arg4[%add3A_220, %dma_wait3A_223] : memref<3276800x64xf32, #tpu.memory_space<hbm>> -> memref<512x64xf32, #tpu.memory_space<hbm>>
        tpu.wait_dma2 semaphore(%arg13 : memref<!tpu.dma_semaphore, #tpu.memory_space<semaphore_mem>>) src(%arg7 : memref<512x64xf32, #tpu.memory_space<vmem>>) dst(%dma_wait3A_224 : memref<512x64xf32, #tpu.memory_space<hbm>>)
      } else {
      }
      %add3A_192 = arith.constant 1 : i32
      %add3A_193 = arith.addi %add3A_146, %add3A_192 : i32
      %lt3A_194 = arith.constant 200 : i32
      %lt3A_195 = arith.cmpi slt, %add3A_193, %lt3A_194 : i32
      %convert_element_type3A_196 = arith.extui %lt3A_195 : i1 to i32
      %cond3A_197 = arith.constant 0 : i32
      %cond3A_198 = arith.cmpi ne, %convert_element_type3A_196, %cond3A_197 : i32
      scf.if %cond3A_198 {
        %add3A_219 = arith.constant 0 : i32
        %add3A_220 = arith.addi %mul3A_2, %add3A_219 : i32
        %dma_wait3A_221 = arith.constant 0 : i32
        %dma_wait3A_222 = tpu.memref_slice %arg2[%add3A_220, %dma_wait3A_221] : memref<25600x128xi32, #tpu.memory_space<hbm>> -> memref<4x128xi32, #tpu.memory_space<hbm>>
        %dma_wait3A_223 = arith.constant 0 : i32
        %dma_wait3A_224 = tpu.memref_slice %arg2[%add3A_220, %dma_wait3A_223] : memref<25600x128xi32, #tpu.memory_space<hbm>> -> memref<4x128xi32, #tpu.memory_space<hbm>>
        tpu.wait_dma2 semaphore(%arg9 : memref<!tpu.dma_semaphore, #tpu.memory_space<semaphore_mem>>) src(%dma_wait3A_224 : memref<4x128xi32, #tpu.memory_space<hbm>>) dst(%arg5 : memref<4x128xi32, #tpu.memory_space<vmem>>)
        %dma_start3A_225 = arith.constant 0 : i32
        %dma_start3A_226 = arith.constant 0 : i32
        %dma_start3A_227 = arith.constant 0 : i32
        %dma_start3A_228 = tpu.memref_slice %arg7[%dma_start3A_226, %dma_start3A_227] : memref<512x64xf32, #tpu.memory_space<vmem>> -> memref<128x64xf32, #tpu.memory_space<vmem>>
        %dma_start3A_229 = arith.constant 0 : i32
        %dma_start3A_230 = tpu.memref_slice %arg5[%dma_start3A_225, %dma_start3A_229] : memref<4x128xi32, #tpu.memory_space<vmem>> -> memref<1x128xi32, #tpu.memory_space<vmem>>
        %dma_start3A_231 = tpu.memref_squeeze %dma_start3A_230 : memref<1x128xi32, #tpu.memory_space<vmem>> -> memref<128xi32, #tpu.memory_space<vmem>>
        %dma_start3A_232 = arith.constant 0 : i32
        %dma_start3A_233 = arith.constant 0 : i32
        %dma_start3A_234 = tpu.memref_slice %arg3[%dma_start3A_232, %dma_start3A_233] : memref<1000000x64xf32, #tpu.memory_space<hbm>> -> memref<1000000x64xf32, #tpu.memory_space<hbm>>
        tpu.enqueue_indirect_dma source(%dma_start3A_234 : memref<1000000x64xf32, #tpu.memory_space<hbm>>) target(%dma_start3A_228 : memref<128x64xf32, #tpu.memory_space<vmem>>) offsets(%dma_start3A_231 : memref<128xi32, #tpu.memory_space<vmem>>) semaphore(%arg11 : memref<!tpu.dma_semaphore, #tpu.memory_space<semaphore_mem>>)
        %dma_start3A_235 = arith.constant 1 : i32
        %dma_start3A_236 = arith.constant 128 : i32
        %dma_start3A_237 = arith.constant 0 : i32
        %dma_start3A_238 = tpu.memref_slice %arg7[%dma_start3A_236, %dma_start3A_237] : memref<512x64xf32, #tpu.memory_space<vmem>> -> memref<128x64xf32, #tpu.memory_space<vmem>>
        %dma_start3A_239 = arith.constant 0 : i32
        %dma_start3A_240 = tpu.memref_slice %arg5[%dma_start3A_235, %dma_start3A_239] : memref<4x128xi32, #tpu.memory_space<vmem>> -> memref<1x128xi32, #tpu.memory_space<vmem>>
        %dma_start3A_241 = tpu.memref_squeeze %dma_start3A_240 : memref<1x128xi32, #tpu.memory_space<vmem>> -> memref<128xi32, #tpu.memory_space<vmem>>
        %dma_start3A_242 = arith.constant 0 : i32
        %dma_start3A_243 = arith.constant 0 : i32
        %dma_start3A_244 = tpu.memref_slice %arg3[%dma_start3A_242, %dma_start3A_243] : memref<1000000x64xf32, #tpu.memory_space<hbm>> -> memref<1000000x64xf32, #tpu.memory_space<hbm>>
        tpu.enqueue_indirect_dma source(%dma_start3A_244 : memref<1000000x64xf32, #tpu.memory_space<hbm>>) target(%dma_start3A_238 : memref<128x64xf32, #tpu.memory_space<vmem>>) offsets(%dma_start3A_241 : memref<128xi32, #tpu.memory_space<vmem>>) semaphore(%arg11 : memref<!tpu.dma_semaphore, #tpu.memory_space<semaphore_mem>>)
        %dma_start3A_245 = arith.constant 2 : i32
        %dma_start3A_246 = arith.constant 256 : i32
        %dma_start3A_247 = arith.constant 0 : i32
        %dma_start3A_248 = tpu.memref_slice %arg7[%dma_start3A_246, %dma_start3A_247] : memref<512x64xf32, #tpu.memory_space<vmem>> -> memref<128x64xf32, #tpu.memory_space<vmem>>
        %dma_start3A_249 = arith.constant 0 : i32
        %dma_start3A_250 = tpu.memref_slice %arg5[%dma_start3A_245, %dma_start3A_249] : memref<4x128xi32, #tpu.memory_space<vmem>> -> memref<1x128xi32, #tpu.memory_space<vmem>>
        %dma_start3A_251 = tpu.memref_squeeze %dma_start3A_250 : memref<1x128xi32, #tpu.memory_space<vmem>> -> memref<128xi32, #tpu.memory_space<vmem>>
        %dma_start3A_252 = arith.constant 0 : i32
        %dma_start3A_253 = arith.constant 0 : i32
        %dma_start3A_254 = tpu.memref_slice %arg3[%dma_start3A_252, %dma_start3A_253] : memref<1000000x64xf32, #tpu.memory_space<hbm>> -> memref<1000000x64xf32, #tpu.memory_space<hbm>>
        tpu.enqueue_indirect_dma source(%dma_start3A_254 : memref<1000000x64xf32, #tpu.memory_space<hbm>>) target(%dma_start3A_248 : memref<128x64xf32, #tpu.memory_space<vmem>>) offsets(%dma_start3A_251 : memref<128xi32, #tpu.memory_space<vmem>>) semaphore(%arg11 : memref<!tpu.dma_semaphore, #tpu.memory_space<semaphore_mem>>)
        %dma_start3A_255 = arith.constant 3 : i32
        %dma_start3A_256 = arith.constant 384 : i32
        %dma_start3A_257 = arith.constant 0 : i32
        %dma_start3A_258 = tpu.memref_slice %arg7[%dma_start3A_256, %dma_start3A_257] : memref<512x64xf32, #tpu.memory_space<vmem>> -> memref<128x64xf32, #tpu.memory_space<vmem>>
        %dma_start3A_259 = arith.constant 0 : i32
        %dma_start3A_260 = tpu.memref_slice %arg5[%dma_start3A_255, %dma_start3A_259] : memref<4x128xi32, #tpu.memory_space<vmem>> -> memref<1x128xi32, #tpu.memory_space<vmem>>
        %dma_start3A_261 = tpu.memref_squeeze %dma_start3A_260 : memref<1x128xi32, #tpu.memory_space<vmem>> -> memref<128xi32, #tpu.memory_space<vmem>>
        %dma_start3A_262 = arith.constant 0 : i32
        %dma_start3A_263 = arith.constant 0 : i32
        %dma_start3A_264 = tpu.memref_slice %arg3[%dma_start3A_262, %dma_start3A_263] : memref<1000000x64xf32, #tpu.memory_space<hbm>> -> memref<1000000x64xf32, #tpu.memory_space<hbm>>
        tpu.enqueue_indirect_dma source(%dma_start3A_264 : memref<1000000x64xf32, #tpu.memory_space<hbm>>) target(%dma_start3A_258 : memref<128x64xf32, #tpu.memory_space<vmem>>) offsets(%dma_start3A_261 : memref<128xi32, #tpu.memory_space<vmem>>) semaphore(%arg11 : memref<!tpu.dma_semaphore, #tpu.memory_space<semaphore_mem>>)
      } else {
      }
      %add3A_199 = arith.constant 2 : i32
      %add3A_200 = arith.addi %add3A_146, %add3A_199 : i32
      %lt3A_201 = arith.constant 200 : i32
      %lt3A_202 = arith.cmpi slt, %add3A_200, %lt3A_201 : i32
      %convert_element_type3A_203 = arith.extui %lt3A_202 : i1 to i32
      %cond3A_204 = arith.constant 0 : i32
      %cond3A_205 = arith.cmpi ne, %convert_element_type3A_203, %cond3A_204 : i32
      scf.if %cond3A_205 {
        %add3A_219 = arith.constant 2 : i32
        %add3A_220 = arith.addi %add3A_146, %add3A_219 : i32
        %mul3A_221 = arith.constant 4 : i32
        %mul3A_222 = arith.muli %add3A_220, %mul3A_221 : i32
        %add3A_223 = arith.addi %mul3A_2, %mul3A_222 : i32
        %dma_start3A_224 = arith.constant 0 : i32
        %dma_start3A_225 = tpu.memref_slice %arg2[%add3A_223, %dma_start3A_224] : memref<25600x128xi32, #tpu.memory_space<hbm>> -> memref<4x128xi32, #tpu.memory_space<hbm>>
        %dma_start3A_226 = arith.constant 0 : i32
        %dma_start3A_227 = tpu.memref_slice %arg2[%add3A_223, %dma_start3A_226] : memref<25600x128xi32, #tpu.memory_space<hbm>> -> memref<4x128xi32, #tpu.memory_space<hbm>>
        tpu.enqueue_dma source(%dma_start3A_227 : memref<4x128xi32, #tpu.memory_space<hbm>>) target(%arg6 : memref<4x128xi32, #tpu.memory_space<vmem>>) target_semaphore(%arg10 : memref<!tpu.dma_semaphore, #tpu.memory_space<semaphore_mem>>)
      } else {
      }
      %scan3A_206 = arith.constant 0 : i32
      %scan3A_207 = arith.constant 0 : i32
      %scan3A_208 = arith.constant 512 : i32
      %scan3A_209 = arith.addi %scan3A_207, %scan3A_208 : i32
      %scan3A_210 = arith.constant 2 : i32
      scf.for %scan3A_219 = %scan3A_207 to %scan3A_209 step %scan3A_210  : i32 {
        %get3A = arith.index_cast %scan3A_219 : i32 to index
        %get3A_220 = arith.constant 0 : index
        %get3A_221 = tpu.vector_load %arg8[%get3A, %get3A_220] {strides = array<i32>} : memref<512x64xf32, #tpu.memory_space<vmem>>, vector<1x16xf32>,
        %get3A_222 = vector.shape_cast %get3A_221 : vector<1x16xf32> to vector<16xf32>
        %mul3A_223 = arith.constant 8.000000e+00 : f32
        %mul3A_224 = vector.broadcast %mul3A_223 : f32 to vector<16xf32>
        %mul3A_225 = arith.mulf %get3A_222, %mul3A_224 : vector<16xf32>
        %swap3A = arith.index_cast %scan3A_219 : i32 to index
        %swap3A_226 = arith.constant 0 : index
        %swap3A_227 = tpu.vector_load %arg8[%swap3A, %swap3A_226] {strides = array<i32>} : memref<512x64xf32, #tpu.memory_space<vmem>>, vector<1x16xf32>,
        %swap3A_228 = vector.shape_cast %swap3A_227 : vector<1x16xf32> to vector<16xf32>
        %swap3A_229 = vector.shape_cast %mul3A_225 : vector<16xf32> to vector<1x16xf32>
        tpu.vector_store %arg8[%swap3A, %swap3A_226], %swap3A_229 {strides = array<i32>} : memref<512x64xf32, #tpu.memory_space<vmem>>, vector<1x16xf32>,
        %get3A_230 = arith.index_cast %scan3A_219 : i32 to index
        %get3A_231 = arith.constant 16 : index
        %get3A_232 = tpu.vector_load %arg8[%get3A_230, %get3A_231] {strides = array<i32>} : memref<512x64xf32, #tpu.memory_space<vmem>>, vector<1x16xf32>,
        %get3A_233 = vector.shape_cast %get3A_232 : vector<1x16xf32> to vector<16xf32>
        %mul3A_234 = arith.constant 8.000000e+00 : f32
        %mul3A_235 = vector.broadcast %mul3A_234 : f32 to vector<16xf32>
        %mul3A_236 = arith.mulf %get3A_233, %mul3A_235 : vector<16xf32>
        %swap3A_237 = arith.index_cast %scan3A_219 : i32 to index
        %swap3A_238 = arith.constant 16 : index
        %swap3A_239 = tpu.vector_load %arg8[%swap3A_237, %swap3A_238] {strides = array<i32>} : memref<512x64xf32, #tpu.memory_space<vmem>>, vector<1x16xf32>,
        %swap3A_240 = vector.shape_cast %swap3A_239 : vector<1x16xf32> to vector<16xf32>
        %swap3A_241 = vector.shape_cast %mul3A_236 : vector<16xf32> to vector<1x16xf32>
        tpu.vector_store %arg8[%swap3A_237, %swap3A_238], %swap3A_241 {strides = array<i32>} : memref<512x64xf32, #tpu.memory_space<vmem>>, vector<1x16xf32>,
        %get3A_242 = arith.index_cast %scan3A_219 : i32 to index
        %get3A_243 = arith.constant 32 : index
        %get3A_244 = tpu.vector_load %arg8[%get3A_242, %get3A_243] {strides = array<i32>} : memref<512x64xf32, #tpu.memory_space<vmem>>, vector<1x16xf32>,
        %get3A_245 = vector.shape_cast %get3A_244 : vector<1x16xf32> to vector<16xf32>
        %mul3A_246 = arith.constant 8.000000e+00 : f32
        %mul3A_247 = vector.broadcast %mul3A_246 : f32 to vector<16xf32>
        %mul3A_248 = arith.mulf %get3A_245, %mul3A_247 : vector<16xf32>
        %swap3A_249 = arith.index_cast %scan3A_219 : i32 to index
        %swap3A_250 = arith.constant 32 : index
        %swap3A_251 = tpu.vector_load %arg8[%swap3A_249, %swap3A_250] {strides = array<i32>} : memref<512x64xf32, #tpu.memory_space<vmem>>, vector<1x16xf32>,
        %swap3A_252 = vector.shape_cast %swap3A_251 : vector<1x16xf32> to vector<16xf32>
        %swap3A_253 = vector.shape_cast %mul3A_248 : vector<16xf32> to vector<1x16xf32>
        tpu.vector_store %arg8[%swap3A_249, %swap3A_250], %swap3A_253 {strides = array<i32>} : memref<512x64xf32, #tpu.memory_space<vmem>>, vector<1x16xf32>,
        %get3A_254 = arith.index_cast %scan3A_219 : i32 to index
        %get3A_255 = arith.constant 48 : index
        %get3A_256 = tpu.vector_load %arg8[%get3A_254, %get3A_255] {strides = array<i32>} : memref<512x64xf32, #tpu.memory_space<vmem>>, vector<1x16xf32>,
        %get3A_257 = vector.shape_cast %get3A_256 : vector<1x16xf32> to vector<16xf32>
        %mul3A_258 = arith.constant 8.000000e+00 : f32
        %mul3A_259 = vector.broadcast %mul3A_258 : f32 to vector<16xf32>
        %mul3A_260 = arith.mulf %get3A_257, %mul3A_259 : vector<16xf32>
        %swap3A_261 = arith.index_cast %scan3A_219 : i32 to index
        %swap3A_262 = arith.constant 48 : index
        %swap3A_263 = tpu.vector_load %arg8[%swap3A_261, %swap3A_262] {strides = array<i32>} : memref<512x64xf32, #tpu.memory_space<vmem>>, vector<1x16xf32>,
        %swap3A_264 = vector.shape_cast %swap3A_263 : vector<1x16xf32> to vector<16xf32>
        %swap3A_265 = vector.shape_cast %mul3A_260 : vector<16xf32> to vector<1x16xf32>
        tpu.vector_store %arg8[%swap3A_261, %swap3A_262], %swap3A_265 {strides = array<i32>} : memref<512x64xf32, #tpu.memory_space<vmem>>, vector<1x16xf32>,
        %scan3A_266 = arith.constant 1 : i32
        %scan3A_267 = arith.addi %scan3A_219, %scan3A_266 : i32
        %get3A_268 = arith.index_cast %scan3A_267 : i32 to index
        %get3A_269 = arith.constant 0 : index
        %get3A_270 = tpu.vector_load %arg8[%get3A_268, %get3A_269] {strides = array<i32>} : memref<512x64xf32, #tpu.memory_space<vmem>>, vector<1x16xf32>,
        %get3A_271 = vector.shape_cast %get3A_270 : vector<1x16xf32> to vector<16xf32>
        %mul3A_272 = arith.constant 8.000000e+00 : f32
        %mul3A_273 = vector.broadcast %mul3A_272 : f32 to vector<16xf32>
        %mul3A_274 = arith.mulf %get3A_271, %mul3A_273 : vector<16xf32>
        %swap3A_275 = arith.index_cast %scan3A_267 : i32 to index
        %swap3A_276 = arith.constant 0 : index
        %swap3A_277 = tpu.vector_load %arg8[%swap3A_275, %swap3A_276] {strides = array<i32>} : memref<512x64xf32, #tpu.memory_space<vmem>>, vector<1x16xf32>,
        %swap3A_278 = vector.shape_cast %swap3A_277 : vector<1x16xf32> to vector<16xf32>
        %swap3A_279 = vector.shape_cast %mul3A_274 : vector<16xf32> to vector<1x16xf32>
        tpu.vector_store %arg8[%swap3A_275, %swap3A_276], %swap3A_279 {strides = array<i32>} : memref<512x64xf32, #tpu.memory_space<vmem>>, vector<1x16xf32>,
        %get3A_280 = arith.index_cast %scan3A_267 : i32 to index
        %get3A_281 = arith.constant 16 : index
        %get3A_282 = tpu.vector_load %arg8[%get3A_280, %get3A_281] {strides = array<i32>} : memref<512x64xf32, #tpu.memory_space<vmem>>, vector<1x16xf32>,
        %get3A_283 = vector.shape_cast %get3A_282 : vector<1x16xf32> to vector<16xf32>
        %mul3A_284 = arith.constant 8.000000e+00 : f32
        %mul3A_285 = vector.broadcast %mul3A_284 : f32 to vector<16xf32>
        %mul3A_286 = arith.mulf %get3A_283, %mul3A_285 : vector<16xf32>
        %swap3A_287 = arith.index_cast %scan3A_267 : i32 to index
        %swap3A_288 = arith.constant 16 : index
        %swap3A_289 = tpu.vector_load %arg8[%swap3A_287, %swap3A_288] {strides = array<i32>} : memref<512x64xf32, #tpu.memory_space<vmem>>, vector<1x16xf32>,
        %swap3A_290 = vector.shape_cast %swap3A_289 : vector<1x16xf32> to vector<16xf32>
        %swap3A_291 = vector.shape_cast %mul3A_286 : vector<16xf32> to vector<1x16xf32>
        tpu.vector_store %arg8[%swap3A_287, %swap3A_288], %swap3A_291 {strides = array<i32>} : memref<512x64xf32, #tpu.memory_space<vmem>>, vector<1x16xf32>,
        %get3A_292 = arith.index_cast %scan3A_267 : i32 to index
        %get3A_293 = arith.constant 32 : index
        %get3A_294 = tpu.vector_load %arg8[%get3A_292, %get3A_293] {strides = array<i32>} : memref<512x64xf32, #tpu.memory_space<vmem>>, vector<1x16xf32>,
        %get3A_295 = vector.shape_cast %get3A_294 : vector<1x16xf32> to vector<16xf32>
        %mul3A_296 = arith.constant 8.000000e+00 : f32
        %mul3A_297 = vector.broadcast %mul3A_296 : f32 to vector<16xf32>
        %mul3A_298 = arith.mulf %get3A_295, %mul3A_297 : vector<16xf32>
        %swap3A_299 = arith.index_cast %scan3A_267 : i32 to index
        %swap3A_300 = arith.constant 32 : index
        %swap3A_301 = tpu.vector_load %arg8[%swap3A_299, %swap3A_300] {strides = array<i32>} : memref<512x64xf32, #tpu.memory_space<vmem>>, vector<1x16xf32>,
        %swap3A_302 = vector.shape_cast %swap3A_301 : vector<1x16xf32> to vector<16xf32>
        %swap3A_303 = vector.shape_cast %mul3A_298 : vector<16xf32> to vector<1x16xf32>
        tpu.vector_store %arg8[%swap3A_299, %swap3A_300], %swap3A_303 {strides = array<i32>} : memref<512x64xf32, #tpu.memory_space<vmem>>, vector<1x16xf32>,
        %get3A_304 = arith.index_cast %scan3A_267 : i32 to index
        %get3A_305 = arith.constant 48 : index
        %get3A_306 = tpu.vector_load %arg8[%get3A_304, %get3A_305] {strides = array<i32>} : memref<512x64xf32, #tpu.memory_space<vmem>>, vector<1x16xf32>,
        %get3A_307 = vector.shape_cast %get3A_306 : vector<1x16xf32> to vector<16xf32>
        %mul3A_308 = arith.constant 8.000000e+00 : f32
        %mul3A_309 = vector.broadcast %mul3A_308 : f32 to vector<16xf32>
        %mul3A_310 = arith.mulf %get3A_307, %mul3A_309 : vector<16xf32>
        %swap3A_311 = arith.index_cast %scan3A_267 : i32 to index
        %swap3A_312 = arith.constant 48 : index
        %swap3A_313 = tpu.vector_load %arg8[%swap3A_311, %swap3A_312] {strides = array<i32>} : memref<512x64xf32, #tpu.memory_space<vmem>>, vector<1x16xf32>,
        %swap3A_314 = vector.shape_cast %swap3A_313 : vector<1x16xf32> to vector<16xf32>
        %swap3A_315 = vector.shape_cast %mul3A_310 : vector<16xf32> to vector<1x16xf32>
        tpu.vector_store %arg8[%swap3A_311, %swap3A_312], %swap3A_315 {strides = array<i32>} : memref<512x64xf32, #tpu.memory_space<vmem>>, vector<1x16xf32>,
      }
      %scan3A_211 = arith.constant 512 : i32
      %mul3A_212 = arith.constant 512 : i32
      %mul3A_213 = arith.muli %add3A_146, %mul3A_212 : i32
      %add3A_214 = arith.addi %mul3A_4, %mul3A_213 : i32
      %dma_start3A_215 = arith.constant 0 : i32
      %dma_start3A_216 = tpu.memref_slice %arg4[%add3A_214, %dma_start3A_215] : memref<3276800x64xf32, #tpu.memory_space<hbm>> -> memref<512x64xf32, #tpu.memory_space<hbm>>
      %dma_start3A_217 = arith.constant 0 : i32
      %dma_start3A_218 = tpu.memref_slice %arg4[%add3A_214, %dma_start3A_217] : memref<3276800x64xf32, #tpu.memory_space<hbm>> -> memref<512x64xf32, #tpu.memory_space<hbm>>
      tpu.enqueue_dma source(%arg8 : memref<512x64xf32, #tpu.memory_space<vmem>>) target(%dma_start3A_218 : memref<512x64xf32, #tpu.memory_space<hbm>>) target_semaphore(%arg14 : memref<!tpu.dma_semaphore, #tpu.memory_space<semaphore_mem>>)
    }
    %scan3A_63 = arith.constant 100 : i32
    %add3A_64 = arith.constant 0 : i32
    %add3A_65 = arith.addi %mul3A_4, %add3A_64 : i32
    %dma_wait3A_66 = arith.constant 0 : i32
    %dma_wait3A_67 = tpu.memref_slice %arg4[%add3A_65, %dma_wait3A_66] : memref<3276800x64xf32, #tpu.memory_space<hbm>> -> memref<512x64xf32, #tpu.memory_space<hbm>>
    %dma_wait3A_68 = arith.constant 0 : i32
    %dma_wait3A_69 = tpu.memref_slice %arg4[%add3A_65, %dma_wait3A_68] : memref<3276800x64xf32, #tpu.memory_space<hbm>> -> memref<512x64xf32, #tpu.memory_space<hbm>>
    tpu.wait_dma2 semaphore(%arg14 : memref<!tpu.dma_semaphore, #tpu.memory_space<semaphore_mem>>) src(%arg8 : memref<512x64xf32, #tpu.memory_space<vmem>>) dst(%dma_wait3A_69 : memref<512x64xf32, #tpu.memory_space<hbm>>)
    return
  }
}

</mosaic_0001>

<sc_bundles>
// kernel: kernel.3.cloned.1.call-start
scs
__scs_entry_jumppad:
0x0: {  	(pc) =	sbr.rel $0x88, $3  }
0x1: {  	(tag) =	ssettag $0x0;
	lr =	simm.s32 $0x1  }
0x2: {  	[smem:$0x3F9F] =	sst lr;
	_ =	strace $0xD0000000  }
0x3: {  	_ = 	snop  }
0x4: {  	_ = 	snop  }
0x5: {  	_ = 	snop  }
0x6: {  	_ = 	snop  }
0x7: {  	_ = 	snop  }
__scs_overlays_trampoline_lowered:
0x8: {  	[smem:$0x3FAE] =	sst s0  }
0x9: {  	[smem:$0x3FAF] =	sst s1  }
0xa: {  	[smem:$0x3FB0] =	sst s2  }
0xb: {  	[smem:$0x3FB1] =	sst s3  }
0xc: {  	[smem:$0x3FB2] =	sst s4  }
0xd: {  	[smem:$0x3FB3] =	sst s5  }
0xe: {  	[smem:$0x3FB4] =	sst s6  }
0xf: {  	[smem:$0x3FB5] =	sst s7  }
0x10: {  	[smem:$0x3FB6] =	sst s8  }
0x11: {  	[smem:$0x3FB7] =	sst s9;
	s0 =	simm.s32 @!p0 $0x0  }
0x12: {  	s1 =	sld [smem:$0x3F9D];
	s0 =	simm.s32 @p0 $0x1  }
0x13: {  	[smem:$0x3FB8] =	sst s0;
	s0 =	simm.s32 @!p1 $0x0  }
0x14: {  	s2 =	sld [smem:$0x3F9C];
	s0 =	simm.s32 @p1 $0x1  }
0x15: {  	[smem:$0x3FB9] =	sst s0;
	s0 =	simm.s32 @!p2 $0x0  }
0x16: {  	s3 =	sld [smem:$0x3FDB];
	s0 =	simm.s32 @p2 $0x1  }
0x17: {  	s4 =	simm.s32 $0x1BF5;
	[smem:$0x3FBB] =	sst s0  }
0x18: {  	s0 =	sld [smem:$0x3F9E];
	_ =	swait.ge [sflag:s4], $0x0  }
0x19: {  	s7 =	sld [smem:$0x3F9F]  }
0x1a: {  	s8 =	sadd.s32 $0xFFFFE003, lr  }
0x1b: {  	s9 =	sadd.s32 $0xFFFFFEF7, lr;
	s5 =	simm.s32 $0xFFFFFFFF;
	p2 =	slt.u32 s8, $0xFFFFF086  }
0x1c: {  	p1 =	slt.u32 s9, $0xF7A;
	s5 =	simm.s32 @!p2 $0x0  }
0x1d: {  	s5 =	simm.s32 @p1 $0x1;
	p0 =	seq.s32 s7, s2  }
0x1e: {  	s7 =	smul.u32 @!p0 $0xF7A, s2;
	p2 =	seq.s32 @!p0 s5, $0x0  }
0x1f: {  	s9 =	smul.u32 $0xF7A, s1;
	s8 =	simm.s32 @!p0 $0x1BF5;
	p2 =	por !p2, p0  }
0x20: {  	[sflag:s8] =	ssyncset.s32 @!p0 $0xFFFFF086;
	s6 =	sadd.s32 @!p0 s3, s7;
	s7 =	simm.s32 @!p0 $0x108  }
0x21: {  	s3 =	sadd.s32 s3, s9;
	s6 =	sadd.s32 @!p0 $0x88, s6;
	s7 =	simm.s32 @p2 $0x1082  }
0x22: {  	[simem:s7], [sflag:s8] =	dma.local @!p0 [hbm:s6], $0xF7A  }
0x23: {  	s9 =	sor.u32 $0xD0000000, s2;
	s6 =	simm.s32 $0x108;
	_ =	swait.ge @!p0 [sflag:s8], $0x0  }
0x24: {  	s3 =	sadd.s32 $0x88, s3;
	s6 =	simm.s32 @!p1 $0x1082;
	[sflag:s4] =	ssyncset.s32 $0xFFFFF086  }
0x25: {  	[simem:s6], [sflag:s4] =	dma.local [hbm:s3], $0xF7A  }
0x26: {  	[smem:$0x3F9F] =	sst s1;
	(tag) =	ssettag s2;
	_ =	strace s9  }
0x27: {  	s1 =	sld [smem:$0x3FAF]  }
0x28: {  	s2 =	sld [smem:$0x3FB0]  }
0x29: {  	s4 =	sld [smem:$0x3FB2]  }
0x2a: {  	p0 =	seq.s32 s5, $0x0;
	s5 =	sld [smem:$0x3FB3]  }
0x2b: {  	s6 =	sld [smem:$0x3FB4]  }
0x2c: {  	s7 =	sld [smem:$0x3FB5]  }
0x2d: {  	s3 =	simm.s32 $0x108;
	s8 =	sld [smem:$0x3FB6]  }
0x2e: {  	s3 =	simm.s32 @!p0 $0x1082;
	s9 =	sld [smem:$0x3FB7]  }
0x2f: {  	lr =	sadd.s32 s0, s3;
	s0 =	sld [smem:$0x3FAE]  }
0x30: {  	s3 =	sld [smem:$0x3FB1]  }
0x31: {  	[smem:$0x3FBA] =	sst s10  }
0x32: {  	s10 =	sld [smem:$0x3FB8];
	_ =	sdelay $0x3  }
0x33: {  	p0 =	seq.s32 s10, $0x1;
	s10 =	sld [smem:$0x3FBA];
	_ =	sdelay $0x3  }
0x34: {  	[smem:$0x3FBA] =	sst s10  }
0x35: {  	s10 =	sld [smem:$0x3FB9];
	_ =	sdelay $0x3  }
0x36: {  	p1 =	seq.s32 s10, $0x1;
	s10 =	sld [smem:$0x3FBA];
	_ =	sdelay $0x3  }
0x37: {  	[smem:$0x3FBA] =	sst s10  }
0x38: {  	s10 =	sld [smem:$0x3FBB]  }
0x39: {  	_ = 	snop;
	(pc) =	sbr.ind lr, $3  }
0x3a: {  	_ = 	snop  }
0x3b: {  	_ = 	snop  }
0x3c: {  	p2 =	seq.s32 s10, $0x1;
	s10 =	sld [smem:$0x3FBA]  }
0x3d: {  	_ =	shalt  }
0x3e: {  	_ =	shalt  }
0x3f: {  	_ =	shalt  }
0x40: {  	_ =	shalt  }
0x41: {  	_ =	shalt  }
0x42: {  	_ =	shalt  }
0x43: {  	_ =	shalt  }
0x44: {  	_ =	shalt  }
0x45: {  	_ =	shalt  }
0x46: {  	_ =	shalt  }
0x47: {  	_ =	shalt  }
0x48: {  	_ =	shalt  }
0x49: {  	_ =	shalt  }
0x4a: {  	_ =	shalt  }
0x4b: {  	_ =	shalt  }
0x4c: {  	_ =	shalt  }
0x4d: {  	_ =	shalt  }
0x4e: {  	_ =	shalt  }
0x4f: {  	_ =	shalt  }
0x50: {  	_ =	shalt  }
0x51: {  	_ =	shalt  }
0x52: {  	_ =	shalt  }
0x53: {  	_ =	shalt  }
0x54: {  	_ =	shalt  }
0x55: {  	_ =	shalt  }
0x56: {  	_ =	shalt  }
0x57: {  	_ =	shalt  }
0x58: {  	_ =	shalt  }
0x59: {  	_ =	shalt  }
0x5a: {  	_ =	shalt  }
0x5b: {  	_ =	shalt  }
0x5c: {  	_ =	shalt  }
0x5d: {  	_ =	shalt  }
0x5e: {  	_ =	shalt  }
0x5f: {  	_ =	shalt  }
0x60: {  	_ =	shalt  }
0x61: {  	_ =	shalt  }
0x62: {  	_ =	shalt  }
0x63: {  	_ =	shalt  }
0x64: {  	_ =	shalt  }
0x65: {  	_ =	shalt  }
0x66: {  	_ =	shalt  }
0x67: {  	_ =	shalt  }
0x68: {  	_ =	shalt  }
0x69: {  	_ =	shalt  }
0x6a: {  	_ =	shalt  }
0x6b: {  	_ =	shalt  }
0x6c: {  	_ =	shalt  }
0x6d: {  	_ =	shalt  }
0x6e: {  	_ =	shalt  }
0x6f: {  	_ =	shalt  }
0x70: {  	_ =	shalt  }
0x71: {  	_ =	shalt  }
0x72: {  	_ =	shalt  }
0x73: {  	_ =	shalt  }
0x74: {  	_ =	shalt  }
0x75: {  	_ =	shalt  }
0x76: {  	_ =	shalt  }
0x77: {  	_ =	shalt  }
0x78: {  	_ =	shalt  }
0x79: {  	_ =	shalt  }
0x7a: {  	_ =	shalt  }
0x7b: {  	_ =	shalt  }
0x7c: {  	_ =	shalt  }
0x7d: {  	_ =	shalt  }
0x7e: {  	_ =	shalt  }
0x7f: {  	_ =	shalt  }
0x80: {  	_ =	shalt  }
0x81: {  	_ =	shalt  }
0x82: {  	_ =	shalt  }
0x83: {  	_ =	shalt  }
0x84: {  	_ =	shalt  }
0x85: {  	_ =	shalt  }
0x86: {  	_ =	shalt  }
0x87: {  	_ =	shalt  }
.Lfunc_end0:
.L_simem_size_0:
called_computation.1_lowered:
.L_overlay_start_0:
0x88: {  	s2 =	sld [smem:$0x3FD9]  }
0x89: {  	s3 =	sld [smem:$0x3FFE];
	_ =	sdelay $0x1  }
0x8a: {  	s1 =	srdreg.scid  }
0x8b: {  	s0 =	sand.u32 $0x1, s1  }
0x8c: {  	s17 =	sshll.u32 s0, $0xA;
	s2 =	sadd.s32 s3, s2  }
0x8d: {  	s2 =	sadd.s32 s2, s17  }
0x8e: {  	[smem:$0x3FC6] =	sst s2  }
0x8f: {  	_ = 	snop  }
0x90: {  	s2 =	sld [smem:$0x3FD0];
	(tm) =	ssettm $0x1  }
0x91: {  	s18 =	sld [smem:$0x3FFB];
	_ =	sdelay $0x3  }
0x92: {  	_ =	strace s18  }
0x93: {  	s3 =	sld [smem:$0x3FFC];
	_ =	sdelay $0x3  }
0x94: {  	_ =	strace s3  }
0x95: {  	s3 =	sld [smem:$0x3FFD];
	_ =	sdelay $0x3  }
0x96: {  	_ =	strace s3  }
0x97: {  	_ =	strace $0x8FFFFFFF  }
0x98: {  	s19 =	sld [smem:$0x3FDB];
	_ =	sdelay $0x1  }
0x99: {  	s4 =	simm.s32 $_scs_section_size  }
0x9a: {  	s5 =	simm.s32 $_size__tile_overlayer_lowered;
	s6 =	simm.s32 $_tile_overlayer_lowered  }
0x9b: {  	s22 =	simm.s32 $0x1BFF;
	s21 =	sshll.u32 s6, $0x1;
	s3 =	sadd.s32 s4, s19  }
0x9c: {  	s7 =	simm.s32 $0x0;
	s20 =	sshll.u32 s5, $0x1;
	s5 =	sadd.s32 s21, s3  }
0x9d: {  	[timem:s7], [sflag:s22] =	dma.local [hbm:s5], s20  }
0x9e: {  	_ =	swait.ge [sflag:s22], s20  }
0x9f: {  	s4 =	ssub.s32 $0x0, s20;
	[sflag:s22] =	ssyncset.done $0x0  }
0xa0: {  	[sflag:s22] =	ssyncadd.s32 s4;
	_ =	sdelay $0x1  }
0xa1: {  	s23 =	simm.s32 $0x1B8B  }
0xa2: {  	_ =	swait.ge [sflag:s23], $0x1  }
0xa3: {  	[sflag:s23] =	ssyncset.done $0x0  }
0xa4: {  	s25 =	simm.s32 $0x1B8E;
	s24 =	sld [smem:$0x3FFE];
	[sflag:s23] =	ssyncadd.s32 $0xFFFFFFFF  }
0xa5: {  	s26 =	simm.s32 $execute0_lowered;
	[smem:$0x3FD2] =	sst s25  }
0xa6: {  	s5 =	sshll.u32 s26, $0x1;
	_ =	strace $0x80000046;
	[dreg:$0x1] =	wrdreg $0xFFFFFFFF  }
0xa7: {  	s28 =	simm.s32 $_size_execute0_lowered;
	s3 =	sadd.s32 s3, s5;
	[dreg:$0x0] =	wrdreg $0x0  }
0xa8: {  	s5 =	sshll.u32 s28, $0x1;
	[dreg:$0x2] =	wrdreg s3  }
0xa9: {  	[dreg:$0x3] =	wrdreg s5  }
0xaa: {  	[dreg:$0x4] =	wrdreg $0xC0  }
0xab: {  	_ =	task [dreg:s7], $0x5FFFF  }
0xac: {  	[dreg:$0x1] =	wrdreg $0xFFFFFFFF  }
0xad: {  	[dreg:$0x0] =	wrdreg $0x60  }
0xae: {  	[dreg:$0x2] =	wrdreg s24  }
0xaf: {  	[dreg:$0x3] =	wrdreg s2  }
0xb0: {  	[dreg:$0x4] =	wrdreg $0x9  }
0xb1: {  	_ =	task.clear_ibuf [dreg:s7], $0x5FFFF;
	_ =	strace $0x90000046  }
0xb2: {  	s29 =	simm.s32 $0x9;
	_ =	strace $0x80000048  }
0xb3: {  	_ =	swait.ge [sflag:s29], $0x1  }
0xb4: {  	[sflag:s29] =	ssyncadd.s32 $0xFFFFFFFF  }
0xb5: {  	_ =	strace $0x90000048  }
0xb6: {  	_ =	sfence  }
0xb7: {  	s30 =	sld [smem:$0x0];
	_ =	sdelay $0x2  }
0xb8: {  	s31 =	sshll.u32 s1, $0xD;
	s1 =	sshrl.u32 s1, $0x2  }
0xb9: {  	s3 =	sand.u32 $0x4000, s31;
	s1 =	sadd.s32 s1, s30  }
0xba: {  	s0 =	sor.u32 s3, s0;
	s1 =	sshll.u32 s1, $0x11  }
0xbb: {  	s0 =	sor.u32 s1, s0  }
0xbc: {  	s0 =	sadd.s32 $0x8F2B, s0  }
0xbd: {  	[sflag:s0] =	ssyncadd.remote.s32 $0x1  }
0xbe: {  	_ =	sfence.sel $0xFFFF  }
0xbf: {  	[dreg:$0x0] =	wrdreg $0xFFFFFFFF;
	(pc) =	sbr.abs _section_cstart, $3  }
0xc0: {  	[dreg:$0x1] =	wrdreg $0xFFFFFFFF  }
0xc1: {  	_ =	task.clear_ibuf [dreg:s7], $0x2FFFF;
	_ =	strace $0x9FFFFFFF  }
0xc2: {  	(tm) =	ssettm $0x7FFFFFFF  }
0xc3: {  	_ =	shalt  }
tec
execute0_lowered:
.L_overlay_start_1:
0x0: {  	(tag) =	ssettag $0x1  }
0x1: {  	s0 =	rddreg [dreg:$0x0]  }
0x2: {  	s2 =	rddreg [dreg:$0x1];
	s3 =	simm.s32 $0x0;
	s1 =	srdreg.scid  }
0x3: {  	s4 =	stileid.u32;
	s14 =	simm.s32 $0x200;
	s15 =	simm.s32 $0x80  }
0x4: {  	s16 =	simm.s32 $0x400;
	s22 =	simm.s32 $0x3;
	s23 =	simm.s32 $0x2  }
0x5: {  	s24 =	simm.s32 $0x8400;
	s28 =	simm.s32 $0x300;
	s29 =	simm.s32 $0xC400  }
0x6: {  	s30 =	simm.s32 $0x380;
	s31 =	simm.s32 $0xE400;
	s17 =	simm.s32 $0x6  }
0x7: {  	s18 =	simm.s32 $0x0;
	s1 =	sand.u32 $0x1, s1;
	s4 =	sshll.u32 s4, $0x1  }
0x8: {  	[smem:$0x7FF] =	sst s3;
	s5 =	sadd.s32 $0x64800, s0;
	s6 =	sor.u32 s1, s4  }
0x9: {  	_ =	strace $0x80000047;
	s1 =	ssub.s32 $0x2, s1;
	s7 =	smul.u32 $0x3200, s6  }
0xa: {  	s4 =	sadd.s32 $0x800, s0;
	s25 =	sshrl.u32 s1, $0x1;
	s8 =	smul.u32 $0x19000, s6  }
0xb: {  	s0 =	ssub.s32 s1, s25;
	s25 =	simm.s32 $0x280;
	s26 =	sadd.s32 s4, s7  }
0xc: {  	s7 =	smul.u32 $0x640000, s6;
	s9 =	sor.u32 $0x400, s8;
	s10 =	sor.u32 $0x600, s8  }
0xd: {  	s0 =	smax.u32 s0, $0x1;
	[dreg:$0x3] =	wrdreg s26;
	s1 =	sadd.s32 $0x40, s26  }
0xe: {  	[dreg:$0x5] =	wrdreg s0;
	s26 =	simm.s32 $0xA400;
	s0 =	simm.s32 $0x4  }
0xf: {  	[dreg:$0x4] =	wrdreg s1;
	s11 =	sor.u32 $0x8000, s7;
	s1 =	simm.s32 $0x5  }
.LBB2_1:
0x10: {  	s6 =	rddreg [dreg:$0x3];
	s8 =	simm.s32 $0x1  }
0x11: {  	[tilespmem:s3], [sflag:$0x1] =	stream.linear.gather [hbm4b:s6+s3], $0x200, $0x38;
	[tilespmem:$0x10400] =	vst v63  }
0x12: {  	_ =	swait.ge [sflag:s8], $0x200  }
0x13: {  	[sflag:s8] =	ssyncset.done $0x0  }
0x14: {  	s12 =	rddreg [dreg:$0x4];
	[sflag:s8] =	ssyncadd.s32 $0xFFFFFE00  }
0x15: {  	[tilespmem:s14], [sflag:$0x2] =	stream.linear.gather [hbm4b:s12+s3], $0x200, $0x38;
	[tilespmem:$0x10400] =	vst v63  }
0x16: {  	_ = 	snop  }
0x17: {  	[tilespmem:s16], [sflag:$0x3] =	stream.indirect.gather [hbm4b:s5+s15], $0x40, s3, s15, $0xb8;
	[tilespmem:$0x10400] =	vst v63  }
0x18: {  	s13 =	simm.s32 $0x2400  }
0x19: {  	[tilespmem:s13], [sflag:$0x3] =	stream.indirect.gather [hbm4b:s5+s15], $0x40, s15, s15, $0xb8;
	[tilespmem:$0x10400] =	vst v63  }
0x1a: {  	s19 =	simm.s32 $0x100;
	s8 =	simm.s32 $0x4400  }
0x1b: {  	[tilespmem:s8], [sflag:$0x3] =	stream.indirect.gather [hbm4b:s5+s15], $0x40, s19, s15, $0xb8;
	[tilespmem:$0x10400] =	vst v63  }
0x1c: {  	s20 =	simm.s32 $0x180;
	s21 =	simm.s32 $0x6400;
	s19 =	simm.s32 $0x0  }
0x1d: {  	[tilespmem:s21], [sflag:$0x3] =	stream.indirect.gather [hbm4b:s5+s15], $0x40, s20, s15, $0xb8;
	[tilespmem:$0x10400] =	vst v63  }
.LBB2_2:
0x1e: {  	_ =	swait.ge [sflag:s22], $0x2000  }
0x1f: {  	[sflag:s22] =	ssyncset.done $0x0  }
0x20: {  	[sflag:s22] =	ssyncadd.s32 $0xFFFFE000  }
0x21: {  	_ =	swait.ge [sflag:s22], $0x2000  }
0x22: {  	[sflag:s22] =	ssyncset.done $0x0  }
0x23: {  	[sflag:s22] =	ssyncadd.s32 $0xFFFFE000  }
0x24: {  	_ =	swait.ge [sflag:s22], $0x2000  }
0x25: {  	[sflag:s22] =	ssyncset.done $0x0  }
0x26: {  	[sflag:s22] =	ssyncadd.s32 $0xFFFFE000  }
0x27: {  	_ =	swait.ge [sflag:s22], $0x2000  }
0x28: {  	p0 =	seq.s32 s19, $0x0;
	[sflag:s22] =	ssyncset.done $0x0  }
0x29: {  	s6 =	simm.s32 @!p0 $0x6;
	[sflag:s22] =	ssyncadd.s32 $0xFFFFE000  }
0x2a: {  	_ =	swait.ge @!p0 [sflag:s6], $0x8000  }
0x2b: {  	[sflag:s6] =	ssyncset.done @!p0 $0x0  }
0x2c: {  	[sflag:s6] =	ssyncadd.s32 @!p0 $0xFFFF8000  }
0x2d: {  	_ =	swait.ge [sflag:s23], $0x200  }
0x2e: {  	[sflag:s23] =	ssyncset.done $0x0  }
0x2f: {  	p0 =	seq.s32 s19, $0x63;
	[sflag:s23] =	ssyncadd.s32 $0xFFFFFE00  }
0x30: {  	[tilespmem:s24], [sflag:$0x4] =	stream.indirect.gather [hbm4b:s5+s15], $0x40, s14, s15, $0xb8;
	[tilespmem:$0x10400] =	vst v63  }
0x31: {  	s21 =	sshll.u32 @!p0 s19, $0xA  }
0x32: {  	[tilespmem:s26], [sflag:$0x4] =	stream.indirect.gather [hbm4b:s5+s15], $0x40, s25, s15, $0xb8;
	[tilespmem:$0x10400] =	vst v63  }
0x33: {  	s6 =	sadd.s32 @!p0 s21, s9  }
0x34: {  	[tilespmem:s29], [sflag:$0x4] =	stream.indirect.gather [hbm4b:s5+s15], $0x40, s28, s15, $0xb8;
	[tilespmem:$0x10400] =	vst v63  }
0x35: {  	s6 =	sshrl.u32 @!p0 s6, $0x3  }
0x36: {  	[tilespmem:s31], [sflag:$0x4] =	stream.indirect.gather [hbm4b:s5+s15], $0x40, s30, s15, $0xb8;
	[tilespmem:$0x10400] =	vst v63  }
0x37: {  	s8 =	simm.s32 @!p0 $0x0;
	s6 =	sadd.s32 @!p0 s4, s6  }
0x38: {  	[tilespmem:s8], [sflag:$0x1] =	stream.linear.gather @!p0 [hbm4b:s6+s8], $0x200, $0x38;
	[tilespmem:$0x10400] =	vst v63  }
0x39: {  	s8 =	simm.s32 $0x440  }
0x3a: {  	v1 =	vld [tilespmem:s8+$0xFFFFFFC0];
	_ =	sdelay $0x1  }
0x3b: {  	v4 =	vld [tilespmem:s8+$0xFFFFFFD0]  }
0x3c: {  	v6 =	vld [tilespmem:s8+$0xFFFFFFE0]  }
0x3d: {  	v2 =	vld [tilespmem:s8+$0x0]  }
0x3e: {  	v0 =	vld [tilespmem:s8+$0x10];
	v5 =	vmul.f32 $8.000000000e+00, v1  }
0x3f: {  	v3 =	vld [tilespmem:s8+$0x20]  }
0x40: {  	v1 =	vld [tilespmem:s8+$0x30];
	[tilespmem:s8+$0xFFFFFFC0] =	vst v5;
	v5 =	vmul.f32 $8.000000000e+00, v4  }
0x41: {  	s20 =	sshll.u32 s19, $0x10;
	s12 =	simm.s32 $0x0;
	s6 =	simm.s32 $0x4C0;
	v6 =	vmul.f32 $8.000000000e+00, v6;
	v4 =	vld [tilespmem:s8+$0xFFFFFFF0]  }
.LBB2_3:
0x42: {  	v7 =	vld [tilespmem:s6+$0xFFFFFFC0];
	[tilespmem:s8+$0xFFFFFFD0] =	vst v5;
	v2 =	vmul.f32 $8.000000000e+00, v2  }
0x43: {  	s12 =	sadd.s32 $0x2, s12;
	v5 =	vld [tilespmem:s6+$0xFFFFFFD0];
	[tilespmem:s8+$0xFFFFFFE0] =	vst v6;
	v0 =	vmul.f32 $8.000000000e+00, v0  }
0x44: {  	p1 =	slt.u32 s12, $0x1FE;
	v6 =	vld [tilespmem:s6+$0xFFFFFFE0];
	[tilespmem:s8+$0x0] =	vst v2;
	v3 =	vmul.f32 $8.000000000e+00, v3  }
.Ltmp0:
0x45: {  	v2 =	vld [tilespmem:s6+$0x0];
	[tilespmem:s8+$0x10] =	vst v0;
	v1 =	vmul.f32 $8.000000000e+00, v1;
	(pc) =	sbr.rel @p1 .LBB2_3-.Ltmp0, $4  }
0x46: {  	v0 =	vld [tilespmem:s6+$0x10];
	v4 =	vmul.f32 $8.000000000e+00, v4;
	[tilespmem:s8+$0x20] =	vst v3  }
0x47: {  	v7 =	vmul.f32 $8.000000000e+00, v7;
	v3 =	vld [tilespmem:s6+$0x20];
	[tilespmem:s8+$0x30] =	vst v1  }
0x48: {  	v5 =	vmul.f32 $8.000000000e+00, v5;
	v1 =	vld [tilespmem:s6+$0x30];
	[tilespmem:s8+$0xFFFFFFF0] =	vst v4;
	s8 =	smov.u32 s6  }
0x49: {  	s6 =	sadd.s32 $0x80, s6;
	[tilespmem:s8+$0xFFFFFFC0] =	vst v7;
	v6 =	vmul.f32 $8.000000000e+00, v6;
	v4 =	vld [tilespmem:s8+$0xFFFFFFF0]  }
0x4a: {  	[tilespmem:s8+$0xFFFFFFD0] =	vst v5;
	v2 =	vmul.f32 $8.000000000e+00, v2  }
0x4b: {  	[tilespmem:s8+$0xFFFFFFE0] =	vst v6;
	v0 =	vmul.f32 $8.000000000e+00, v0  }
0x4c: {  	[tilespmem:s8+$0x0] =	vst v2;
	v2 =	vmul.f32 $8.000000000e+00, v3  }
0x4d: {  	[tilespmem:s8+$0x10] =	vst v0;
	v0 =	vmul.f32 $8.000000000e+00, v1  }
0x4e: {  	s6 =	sadd.s32 s7, s20;
	v1 =	vmul.f32 $8.000000000e+00, v4;
	[tilespmem:s8+$0x20] =	vst v2  }
0x4f: {  	s6 =	sshrl.u32 s6, $0x3;
	[tilespmem:s8+$0x30] =	vst v0  }
0x50: {  	s6 =	sadd.s32 s2, s6;
	[tilespmem:s8+$0xFFFFFFF0] =	vst v1  }
0x51: {  	[hbm4b:s6+s3] =	stream.linear.scatter [tilespmem:s16], [sflag:$0x5], $0x8000, $0x38;
	[tilespmem:$0x10400] =	vst v63  }
0x52: {  	_ =	swait.ge [sflag:s0], $0x2000  }
0x53: {  	[sflag:s0] =	ssyncset.done $0x0  }
0x54: {  	[sflag:s0] =	ssyncadd.s32 $0xFFFFE000  }
0x55: {  	_ =	swait.ge [sflag:s0], $0x2000  }
0x56: {  	[sflag:s0] =	ssyncset.done $0x0  }
0x57: {  	[sflag:s0] =	ssyncadd.s32 $0xFFFFE000  }
0x58: {  	_ =	swait.ge [sflag:s0], $0x2000  }
0x59: {  	[sflag:s0] =	ssyncset.done $0x0  }
0x5a: {  	[sflag:s0] =	ssyncadd.s32 $0xFFFFE000  }
0x5b: {  	_ =	swait.ge [sflag:s0], $0x2000  }
0x5c: {  	[sflag:s0] =	ssyncset.done $0x0  }
0x5d: {  	[sflag:s0] =	ssyncadd.s32 $0xFFFFE000  }
0x5e: {  	_ =	swait.ge [sflag:s1], $0x8000  }
0x5f: {  	[sflag:s1] =	ssyncset.done $0x0  }
0x60: {  	s6 =	simm.s32 @!p0 $0x1;
	[sflag:s1] =	ssyncadd.s32 $0xFFFF8000  }
0x61: {  	_ =	swait.ge @!p0 [sflag:s6], $0x200  }
0x62: {  	s12 =	simm.s32 @!p0 $0x400;
	[sflag:s6] =	ssyncset.done @!p0 $0x0  }
0x63: {  	s8 =	simm.s32 @!p0 $0x0;
	[sflag:s6] =	ssyncadd.s32 @!p0 $0xFFFFFE00;
	s6 =	simm.s32 @!p0 $0x80  }
0x64: {  	[tilespmem:s12], [sflag:$0x3] =	stream.indirect.gather @!p0 [hbm4b:s5+s6], $0x40, s8, s6, $0xb8;
	[tilespmem:$0x10400] =	vst v63  }
0x65: {  	s12 =	simm.s32 @!p0 $0x2400  }
0x66: {  	[tilespmem:s12], [sflag:$0x3] =	stream.indirect.gather @!p0 [hbm4b:s5+s6], $0x40, s6, s6, $0xb8;
	[tilespmem:$0x10400] =	vst v63  }
0x67: {  	s13 =	simm.s32 @!p0 $0x4400;
	s12 =	simm.s32 @!p0 $0x100  }
0x68: {  	[tilespmem:s13], [sflag:$0x3] =	stream.indirect.gather @!p0 [hbm4b:s5+s6], $0x40, s12, s6, $0xb8;
	[tilespmem:$0x10400] =	vst v63  }
0x69: {  	s12 =	simm.s32 @!p0 $0x180;
	s13 =	simm.s32 @!p0 $0x6400  }
0x6a: {  	[tilespmem:s13], [sflag:$0x3] =	stream.indirect.gather @!p0 [hbm4b:s5+s6], $0x40, s12, s6, $0xb8;
	[tilespmem:$0x10400] =	vst v63  }
0x6b: {  	s6 =	sadd.s32 @!p0 s21, s10  }
0x6c: {  	s6 =	sshrl.u32 @!p0 s6, $0x3  }
0x6d: {  	s12 =	simm.s32 @!p0 $0x200;
	s6 =	sadd.s32 @!p0 s4, s6  }
0x6e: {  	[tilespmem:s12], [sflag:$0x2] =	stream.linear.gather @!p0 [hbm4b:s6+s8], $0x200, $0x38;
	[tilespmem:$0x10400] =	vst v63  }
0x6f: {  	s8 =	simm.s32 $0x8440  }
0x70: {  	v1 =	vld [tilespmem:s8+$0xFFFFFFC0];
	_ =	sdelay $0x1  }
0x71: {  	v4 =	vld [tilespmem:s8+$0xFFFFFFD0]  }
0x72: {  	v6 =	vld [tilespmem:s8+$0xFFFFFFE0]  }
0x73: {  	v2 =	vld [tilespmem:s8+$0x0]  }
0x74: {  	v0 =	vld [tilespmem:s8+$0x10];
	v5 =	vmul.f32 $8.000000000e+00, v1  }
0x75: {  	v3 =	vld [tilespmem:s8+$0x20]  }
0x76: {  	v1 =	vld [tilespmem:s8+$0x30];
	[tilespmem:s8+$0xFFFFFFC0] =	vst v5;
	v5 =	vmul.f32 $8.000000000e+00, v4  }
0x77: {  	s12 =	simm.s32 $0x0;
	s6 =	simm.s32 $0x84C0;
	v6 =	vmul.f32 $8.000000000e+00, v6;
	v4 =	vld [tilespmem:s8+$0xFFFFFFF0]  }
.LBB2_5:
0x78: {  	v7 =	vld [tilespmem:s6+$0xFFFFFFC0];
	[tilespmem:s8+$0xFFFFFFD0] =	vst v5;
	v2 =	vmul.f32 $8.000000000e+00, v2  }
0x79: {  	s12 =	sadd.s32 $0x2, s12;
	v5 =	vld [tilespmem:s6+$0xFFFFFFD0];
	[tilespmem:s8+$0xFFFFFFE0] =	vst v6;
	v0 =	vmul.f32 $8.000000000e+00, v0  }
0x7a: {  	p0 =	slt.u32 s12, $0x1FE;
	v6 =	vld [tilespmem:s6+$0xFFFFFFE0];
	[tilespmem:s8+$0x0] =	vst v2;
	v3 =	vmul.f32 $8.000000000e+00, v3  }
.Ltmp1:
0x7b: {  	v2 =	vld [tilespmem:s6+$0x0];
	[tilespmem:s8+$0x10] =	vst v0;
	v1 =	vmul.f32 $8.000000000e+00, v1;
	(pc) =	sbr.rel @p0 .LBB2_5-.Ltmp1, $4  }
0x7c: {  	v0 =	vld [tilespmem:s6+$0x10];
	v4 =	vmul.f32 $8.000000000e+00, v4;
	[tilespmem:s8+$0x20] =	vst v3  }
0x7d: {  	v7 =	vmul.f32 $8.000000000e+00, v7;
	v3 =	vld [tilespmem:s6+$0x20];
	[tilespmem:s8+$0x30] =	vst v1  }
0x7e: {  	v5 =	vmul.f32 $8.000000000e+00, v5;
	v1 =	vld [tilespmem:s6+$0x30];
	[tilespmem:s8+$0xFFFFFFF0] =	vst v4;
	s8 =	smov.u32 s6  }
0x7f: {  	s6 =	sadd.s32 $0x80, s6;
	[tilespmem:s8+$0xFFFFFFC0] =	vst v7;
	v6 =	vmul.f32 $8.000000000e+00, v6;
	v4 =	vld [tilespmem:s8+$0xFFFFFFF0]  }
0x80: {  	[tilespmem:s8+$0xFFFFFFD0] =	vst v5;
	v2 =	vmul.f32 $8.000000000e+00, v2  }
0x81: {  	s19 =	sadd.s32 $0x1, s19;
	[tilespmem:s8+$0xFFFFFFE0] =	vst v6;
	v0 =	vmul.f32 $8.000000000e+00, v0  }
0x82: {  	p0 =	sne.s32 s19, $0x64;
	[tilespmem:s8+$0x0] =	vst v2;
	v61 =	vmul.f32 $8.000000000e+00, v3  }
.Ltmp2:
0x83: {  	[tilespmem:s8+$0x10] =	vst v0;
	v62 =	vmul.f32 $8.000000000e+00, v1;
	(pc) =	sbr.rel @p0 .LBB2_2-.Ltmp2, $4  }
0x84: {  	s6 =	sadd.s32 s20, s11;
	v63 =	vmul.f32 $8.000000000e+00, v4;
	[tilespmem:s8+$0x20] =	vst v61  }
0x85: {  	s6 =	sshrl.u32 s6, $0x3;
	[tilespmem:s8+$0x30] =	vst v62  }
0x86: {  	s6 =	sadd.s32 s2, s6;
	[tilespmem:s8+$0xFFFFFFF0] =	vst v63  }
0x87: {  	[hbm4b:s6+s3] =	stream.linear.scatter [tilespmem:s24], [sflag:$0x6], $0x8000, $0x38;
	[tilespmem:$0x10400] =	vst v63  }
0x88: {  	_ =	swait.ge [sflag:s17], $0x8000  }
0x89: {  	s18 =	sadd.s32 $0x1, s18;
	s6 =	rddreg [dreg:$0x5]  }
0x8a: {  	p0 =	sne.s32 s18, s6  }
.Ltmp3:
0x8b: {  	_ = 	snop;
	(pc) =	sbr.rel @p0 .LBB2_1-.Ltmp3, $3  }
0x8c: {  	_ =	sdelay $0x1  }
0x8d: {  	[sflag:s17] =	ssyncset.done $0x0  }
0x8e: {  	[sflag:s17] =	ssyncadd.s32 $0xFFFF8000  }
0x8f: {  	_ =	sfence.sel $0x180000  }
0x90: {  	[bflag:$0x0] =	sbarrier.arrive $0xFFFF  }
0x91: {  	_ =	strace $0x90000047  }
0x92: {  	s0 =	stileid.u32;
	[bflag:$0x2] =	sbarrier.arrive $0xFFFF  }
0x93: {  	p0 =	sne.s32 s0, $0x0;
	s0 =	rddreg [dreg:$0x2]  }
0x94: {  	s0 =	sadd.s32 @!p0 $0x100000, s0  }
0x95: {  	[sflag:s0] =	ssyncadd.tile.s32 @!p0 $0x1;
	_ =	shalt  }
.Lfunc_end2:
_tile_overlayer_lowered:
.L_overlay_start_2:
0x96: {  	(tag) =	ssettag $0x2  }
0x97: {  	s0 =	rddreg [dreg:$0x0];
	s2 =	stileid.u32  }
0x98: {  	s1 =	rddreg [dreg:$0x1];
	p0 =	sne.s32 s2, $0x0  }
0x99: {  	s3 =	rddreg [dreg:$0x2];
	[bflag:$0x3] =	sbarrier.arrive $0xFFFF;
	s2 =	simm.s32 @!p0 $0x1C07  }
0x9a: {  	[timem:s3], [sflag:s2] =	dma.local @!p0 [hbm:s0], s1  }
0x9b: {  	s0 =	simm.s32 @!p0 $0x7  }
0x9c: {  	_ =	swait.ge @!p0 [sflag:s0], s1  }
0x9d: {  	s1 =	ssub.s32 @!p0 $0x0, s1;
	[sflag:s0] =	ssyncset.done @!p0 $0x0  }
0x9e: {  	[sflag:s0] =	ssyncadd.s32 @!p0 s1  }
0x9f: {  	[bflag:$0x3] =	sbarrier.arrive $0xFFFF  }
0xa0: {  	_ =	shalt  }

// kernel: sparse-core-data-format-call.cloned.1.call-start
scs
called_computation_lowered:
.L_overlay_start_0:
0x0: {  	s2 =	sld [smem:$0x3FD9]  }
0x1: {  	s3 =	sld [smem:$0x3FFE];
	_ =	sdelay $0x1  }
0x2: {  	s1 =	srdreg.scid  }
0x3: {  	s0 =	sand.u32 $0x1, s1  }
0x4: {  	s18 =	sshll.u32 s0, $0xA;
	s2 =	sadd.s32 s3, s2  }
0x5: {  	s2 =	sadd.s32 s2, s18  }
0x6: {  	[smem:$0x3FC6] =	sst s2  }
0x7: {  	_ = 	snop  }
0x8: {  	s2 =	sld [smem:$0x3FD0];
	(tm) =	ssettm $0x1  }
0x9: {  	s19 =	sld [smem:$0x3FFB];
	_ =	sdelay $0x3  }
0xa: {  	_ =	strace s19  }
0xb: {  	s3 =	sld [smem:$0x3FFC];
	_ =	sdelay $0x3  }
0xc: {  	_ =	strace s3  }
0xd: {  	s3 =	sld [smem:$0x3FFD];
	_ =	sdelay $0x3  }
0xe: {  	_ =	strace s3  }
0xf: {  	_ =	strace $0x8FFFFFFF  }
0x10: {  	s20 =	sld [smem:$0x3FDB];
	_ =	sdelay $0x1  }
0x11: {  	s4 =	simm.s32 $_scs_section_size  }
0x12: {  	s5 =	simm.s32 $_size__tile_overlayer_lowered;
	s6 =	simm.s32 $_tile_overlayer_lowered  }
0x13: {  	s23 =	simm.s32 $0x1BFF;
	s22 =	sshll.u32 s6, $0x1;
	s3 =	sadd.s32 s4, s20  }
0x14: {  	s7 =	simm.s32 $0x0;
	s21 =	sshll.u32 s5, $0x1;
	s5 =	sadd.s32 s22, s3  }
0x15: {  	[timem:s7], [sflag:s23] =	dma.local [hbm:s5], s21  }
0x16: {  	_ =	swait.ge [sflag:s23], s21  }
0x17: {  	s4 =	ssub.s32 $0x0, s21;
	[sflag:s23] =	ssyncset.done $0x0  }
0x18: {  	[sflag:s23] =	ssyncadd.s32 s4;
	_ =	sdelay $0x1  }
0x19: {  	s24 =	simm.s32 $0x1B8B  }
0x1a: {  	_ =	swait.ge [sflag:s24], $0x1  }
0x1b: {  	[sflag:s24] =	ssyncset.done $0x0  }
0x1c: {  	s26 =	simm.s32 $0x1B8E;
	s25 =	sld [smem:$0x3FFE];
	[sflag:s24] =	ssyncadd.s32 $0xFFFFFFFF  }
0x1d: {  	s27 =	simm.s32 $execute0_lowered;
	[smem:$0x3FD2] =	sst s26  }
0x1e: {  	s5 =	sshll.u32 s27, $0x1;
	_ =	strace $0x80000049;
	[dreg:$0x1] =	wrdreg $0xFFFFFFFF  }
0x1f: {  	s28 =	simm.s32 $_size_execute0_lowered;
	s3 =	sadd.s32 s3, s5;
	[dreg:$0x0] =	wrdreg $0x0  }
0x20: {  	s5 =	sshll.u32 s28, $0x1;
	[dreg:$0x2] =	wrdreg s3  }
0x21: {  	[dreg:$0x3] =	wrdreg s5  }
0x22: {  	[dreg:$0x4] =	wrdreg $0xC0  }
0x23: {  	_ =	task [dreg:s7], $0x5FFFF  }
0x24: {  	[dreg:$0x1] =	wrdreg $0xFFFFFFFF  }
0x25: {  	[dreg:$0x0] =	wrdreg $0x60  }
0x26: {  	[dreg:$0x2] =	wrdreg s25  }
0x27: {  	[dreg:$0x3] =	wrdreg s2  }
0x28: {  	[dreg:$0x4] =	wrdreg $0x9  }
0x29: {  	_ =	task.clear_ibuf [dreg:s7], $0x5FFFF;
	_ =	strace $0x90000049  }
0x2a: {  	s29 =	simm.s32 $0x9;
	_ =	strace $0x8000004B  }
0x2b: {  	_ =	swait.ge [sflag:s29], $0x1  }
0x2c: {  	[sflag:s29] =	ssyncadd.s32 $0xFFFFFFFF  }
0x2d: {  	_ =	strace $0x9000004B  }
0x2e: {  	_ =	sfence  }
0x2f: {  	s30 =	sld [smem:$0x0];
	_ =	sdelay $0x2  }
0x30: {  	s31 =	sshll.u32 s1, $0xD;
	s1 =	sshrl.u32 s1, $0x2  }
0x31: {  	s3 =	sand.u32 $0x4000, s31;
	s1 =	sadd.s32 s1, s30  }
0x32: {  	s0 =	sor.u32 s3, s0;
	s1 =	sshll.u32 s1, $0x11  }
0x33: {  	s0 =	sor.u32 s1, s0  }
0x34: {  	s0 =	sadd.s32 $0x8F2B, s0  }
0x35: {  	[sflag:s0] =	ssyncadd.remote.s32 $0x1  }
0x36: {  	_ =	sfence.sel $0xFFFF  }
0x37: {  	[dreg:$0x0] =	wrdreg $0xFFFFFFFF;
	(pc) =	sbr.abs _section_cstart, $3  }
0x38: {  	[dreg:$0x1] =	wrdreg $0xFFFFFFFF  }
0x39: {  	_ =	task.clear_ibuf [dreg:s7], $0x2FFFF;
	_ =	strace $0x9FFFFFFF  }
0x3a: {  	(tm) =	ssettm $0x7FFFFFFF  }
0x3b: {  	_ =	shalt  }
tec
execute0_lowered:
.L_overlay_start_1:
0x0: {  	(tag) =	ssettag $0x1  }
0x1: {  	s0 =	srdreg.scid  }
0x2: {  	s1 =	sshll.u32 s0, $0x4  }
0x3: {  	s0 =	stileid.u32;
	s1 =	sand.u32 $0x10, s1  }
0x4: {  	s1 =	sor.u32 s0, s1  }
0x5: {  	s6 =	rddreg [dreg:$0x0];
	s4 =	simm.s32 $0x1;
	s2 =	sshll.u32 s1, $0x7  }
0x6: {  	s7 =	simm.s32 $0x2;
	s12 =	simm.s32 $0x0;
	s1 =	ssub.s32 $0x4000, s2  }
0x7: {  	s8 =	simm.s32 $0x20000;
	s13 =	simm.s32 $0x0;
	s3 =	sand.u32 $0xF80, s1  }
0x8: {  	s9 =	simm.s32 $0x0;
	s5 =	sshrl.u32 s1, $0xC;
	p0 =	sne.s32 s3, $0x0  }
.Ltmp0:
0x9: {  	s1 =	rddreg [dreg:$0x2];
	s4 =	simm.s32 @!p0 $0x0;
	(pc) =	sbr.rel .LBB1_1-.Ltmp0, $4  }
0xa: {  	s11 =	simm.s32 $0x0;
	s3 =	rddreg [dreg:$0x1];
	s5 =	sadd.s32 s4, s5  }
0xb: {  	_ =	strace $0x8000004A;
	s4 =	simm.s32 $0x1;
	s5 =	smul.u32 $0xC8, s5  }
0xc: {  	s6 =	sadd.s32 $0x800, s6;
	s10 =	smov.u32 s2;
	[sflag:s4] =	ssyncpa.u1 $0x0  }
0xd: {  	p0 =	por $0x0, $0x0;
	[sflag:s7] =	ssyncpa.u1 $0x0;
	s7 =	sor.u32 $0x1, s5  }
.LBB1_4:
0xe: {  	s16 =	sshll.u32 s13, $0x3;
	s17 =	sand.u32 $0x78, s13  }
0xf: {  	s30 =	sand.u32 $0x1F800, s13;
	s12 =	sshll.u32 s12, $0x11;
	s16 =	sand.u32 $0x3C00, s16  }
0x10: {  	[tilespmem:s15+$0x810 ss:$0x81] =	vst.msk $0xffff, v2;
	s31 =	sand.u32 $0x7, s13;
	s16 =	sor.u32 s17, s16;
	s17 =	sadd.s32 s3, s30  }
0x11: {  	[tilespmem:s15+$0x1020 ss:$0x81] =	vst.msk $0xffff, v0;
	s13 =	sshll.u32 s31, $0x12;
	s12 =	sadd.s32 s12, s17;
	s16 =	sshrl.u32 s16, $0x3  }
0x12: {  	[tilespmem:s15+$0x0 ss:$0x81] =	vst.msk $0xffff, v1;
	s13 =	sor.u32 $0x400, s13;
	s12 =	sadd.s32 s16, s12  }
0x13: {  	[hbm4b:s12+s13] =	stream.strided.scatter [tilespmem:s14], [sflag:$0x2], $0x2000, s8, s13, $0x20;
	[tilespmem:$0x8080] =	vst v63  }
.LBB1_5:
0x14: {  	s14 =	sadd.s32 $0x1, s9  }
0x15: {  	s12 =	sadd.s32 $0x1000, s10;
	s16 =	smov.u32 s10;
	p2 =	sgt.s32 s14, $0xC7  }
0x16: {  	s16 =	smov.u32 @p2 s12  }
0x17: {  	s14 =	simm.s32 @p2 $0x0;
	p2 =	sgt.s32 s16, $0x3FFF  }
0x18: {  	s16 =	smov.u32 @p2 s2;
	p2 =	sne.s32 s11, s7  }
.Ltmp1:
0x19: {  	p1 =	slt.u32 s11, $0x2;
	(pc) =	sbr.rel @!p2 .LBB1_6-.Ltmp1, $4  }
0x1a: {  	s15 =	simm.s32 @!p1 $0x2  }
0x1b: {  	s13 =	smov.u32 s10;
	p0 =	por !p0, !p0;
	_ =	swait.ge @!p1 [sflag:s15], $0x2000  }
0x1c: {  	s12 =	smov.u32 s9;
	[sflag:s15] =	ssyncset.done @!p1 $0x0;
	s9 =	smov.u32 s14  }
0x1d: {  	s11 =	sadd.s32 $0x1, s11;
	[sflag:s15] =	ssyncadd.s32 @!p1 $0xFFFFE000;
	s10 =	smov.u32 s16  }
.LBB1_1:
0x1e: {  	p1 =	sge.u32 s11, s5  }
0x1f: {  	s14 =	sand.u32 @!p1 $0x1FFFFFF, s9  }
0x20: {  	s15 =	smulhi.u32 @!p1 $0x147AE15, s14;
	_ =	sdelay $0x1  }
0x21: {  	s15 =	smul.u32 @!p1 $0xC8, s15  }
0x22: {  	s16 =	sxor.u32 @!p1 $0xFFFFFFFF, s11;
	s17 =	smul.u32 @!p1 $0xC80, s10  }
0x23: {  	s31 =	sadd.s32 $0xFFFFFFFF, s11;
	s16 =	sshll.u32 @!p1 s16, $0xD;
	s14 =	ssub.s32 @!p1 s14, s15  }
0x24: {  	s15 =	sand.u32 @!p1 $0x2000, s16;
	s16 =	sadd.s32 @!p1 s6, s17;
	s14 =	sshll.u32 @!p1 s14, $0x4  }
0x25: {  	s17 =	simm.s32 @!p1 $0x6400;
	s14 =	sadd.s32 @!p1 s14, s16;
	s16 =	simm.s32 @!p1 $0x40  }
0x26: {  	[tilespmem:s15], [sflag:$0x1] =	stream.strided.gather @!p1 [hbm4b:s14+s16], $0x2000, s17, s16, $0x38;
	[tilespmem:$0x8080] =	vst v63  }
0x27: {  	p1 =	sge.u32 s31, s5  }
.Ltmp2:
0x28: {  	_ = 	snop;
	(pc) =	sbr.rel @p1 .LBB1_5-.Ltmp2, $1  }
0x29: {  	_ =	sdelay $0x3  }
0x2a: {  	s14 =	simm.s32 $0x1  }
0x2b: {  	_ =	swait.ge [sflag:s4], $0x2000;
	s14 =	simm.s32 @!p0 $0x0  }
0x2c: {  	[sflag:s4] =	ssyncset.done $0x0;
	s15 =	sshll.u32 s14, $0xD  }
0x2d: {  	[sflag:s4] =	ssyncadd.s32 $0xFFFFE000;
	s18 =	sor.u32 $0x20, s15  }
0x2e: {  	s14 =	smul.u32 $0x8100, s14;
	v3 =	vld [tilespmem:s18+$0x10]  }
0x2f: {  	s30 =	sand.u32 $0x1, s11;
	v2 =	vld [tilespmem:s18+$0xFFFFFFF0]  }
0x30: {  	s15 =	smul.u32 $0x8100, s30;
	s14 =	sshrl.u32 s14, $0x2;
	v0 =	vld [tilespmem:s18+$0x0]  }
0x31: {  	v1 =	vld [tilespmem:s18+$0xFFFFFFE0];
	s16 =	sor.u32 $0x4000, s14  }
0x32: {  	s31 =	sshrl.u32 s15, $0x2;
	s15 =	sadd.s32 $0x0, s16  }
0x33: {  	s17 =	simm.s32 $0x4;
	s18 =	sadd.s32 $0x40, s18;
	s14 =	sor.u32 $0x4000, s31;
	[tilespmem:s15+$0x1830 ss:$0x81] =	vst.msk $0xffff, v3  }
.LBB1_3:
0x34: {  	v3 =	vld [tilespmem:s18+$0x10];
	p1 =	sne.s32 s17, $0x1FC;
	[tilespmem:s15+$0x810 ss:$0x81] =	vst.msk $0xffff, v2;
	s19 =	smov.u32 s17;
	s17 =	sadd.s32 $0x4, s17  }
.Ltmp3:
0x35: {  	v2 =	vld [tilespmem:s18+$0xFFFFFFF0];
	[tilespmem:s15+$0x1020 ss:$0x81] =	vst.msk $0xffff, v0;
	(pc) =	sbr.rel @p1 .LBB1_3-.Ltmp3, $4  }
0x36: {  	v0 =	vld [tilespmem:s18+$0x0];
	[tilespmem:s15+$0x0 ss:$0x81] =	vst.msk $0xffff, v1  }
0x37: {  	s15 =	sshra.s32 s19, $0x2;
	v1 =	vld [tilespmem:s18+$0xFFFFFFE0]  }
0x38: {  	s15 =	sadd.s32 s15, s16  }
0x39: {  	s18 =	sadd.s32 $0x40, s18;
	[tilespmem:s15+$0x1830 ss:$0x81] =	vst.msk $0xffff, v3  }
.Ltmp4:
0x3a: {  	_ = 	snop;
	(pc) =	sbr.rel .LBB1_4-.Ltmp4, $1  }
0x3b: {  	_ =	sdelay $0x3  }
.LBB1_6:
0x3c: {  	_ =	sfence.sel $0x180000  }
0x3d: {  	s2 =	simm.s32 $0x1;
	[bflag:$0x0] =	sbarrier.arrive $0xFFFF  }
0x3e: {  	s31 =	simm.s32 $0x2;
	[sflag:s2] =	ssyncpa.u1 $0x1  }
0x3f: {  	[sflag:s31] =	ssyncpa.u1 $0x1  }
0x40: {  	p0 =	sne.s32 s0, $0x0;
	_ =	strace $0x9000004A  }
0x41: {  	s0 =	sadd.s32 @!p0 $0x100000, s1;
	[bflag:$0x2] =	sbarrier.arrive $0xFFFF  }
0x42: {  	[sflag:s0] =	ssyncadd.tile.s32 @!p0 $0x1;
	_ =	shalt  }
.Lfunc_end1:
_tile_overlayer_lowered:
.L_overlay_start_2:
0x43: {  	(tag) =	ssettag $0x2  }
0x44: {  	s0 =	rddreg [dreg:$0x0];
	s2 =	stileid.u32  }
0x45: {  	s1 =	rddreg [dreg:$0x1];
	p0 =	sne.s32 s2, $0x0  }
0x46: {  	s3 =	rddreg [dreg:$0x2];
	[bflag:$0x3] =	sbarrier.arrive $0xFFFF;
	s2 =	simm.s32 @!p0 $0x1C01  }
0x47: {  	[timem:s3], [sflag:s2] =	dma.local @!p0 [hbm:s0], s1  }
0x48: {  	s0 =	simm.s32 @!p0 $0x1  }
0x49: {  	_ =	swait.ge @!p0 [sflag:s0], s1  }
0x4a: {  	s1 =	ssub.s32 @!p0 $0x0, s1;
	[sflag:s0] =	ssyncset.done @!p0 $0x0  }
0x4b: {  	[sflag:s0] =	ssyncadd.s32 @!p0 s1  }
0x4c: {  	[bflag:$0x3] =	sbarrier.arrive $0xFFFF  }
0x4d: {  	_ =	shalt  }

</sc_bundles>
